<compile_context>
chip_gen: v7x
topology: tpu7x:2x2x1
jax: 0.10.2.dev20260603
libtpu: 0.0.44.dev20260713+nightly
codegen_flags: <defaults>
</compile_context>

<pallas_src>
import functools

import jax
import jax.numpy as jnp
from jax import lax
from jax.experimental import pallas as pl
from jax.experimental.pallas import tpu as pltpu
from jax.experimental.pallas import tpu_sc as plsc

_MIN_VAL = 0.0
_MAX_VAL = 1.0
_COUNT = 100000
_DIM = 64
_BATCH = 16384

_NC, _NS, _L = 2, 16, 16
_NW = _NC * _NS
_FPW = _DIM // _NW
_CHUNK = 4096
_NXC = _BATCH // _CHUNK
_NOC = _BATCH // _CHUNK

_mesh = plsc.VectorSubcoreMesh(core_axis_name="c", subcore_axis_name="s")


@functools.partial(
    pl.kernel,
    mesh=_mesh,
    out_type=jax.ShapeDtypeStruct((_DIM, _BATCH), jnp.float32),
    scratch_types=[
        pltpu.VMEM((_COUNT,), jnp.float32),
        pltpu.VMEM((_BATCH,), jnp.int32),
        pltpu.VMEM((2, _CHUNK), jnp.float32),
        pltpu.SemaphoreType.DMA,
        pltpu.SemaphoreType.DMA,
        pltpu.SemaphoreType.DMA,
        pltpu.SemaphoreType.DMA,
    ],
    compiler_params=pltpu.CompilerParams(
        use_tc_tiling_on_sc=True, needs_layout_passes=False
    ),
)
def _bucketed_gather(
    x_hbm, tab_hbm, out_hbm,
    row_v, idx_v, buf_v, sem_r0, sem_r1, sem_b0, sem_b1,
):
    wid = lax.axis_index("s") * _NC + lax.axis_index("c")
    f_base = wid * _FPW

    def start_row(f):
        return [pltpu.async_copy(tab_hbm.at[f], row_v, sem_r0)]

    bsems = (sem_b0, sem_b1)
    xcopies = {}
    for c in range(min(2, _NXC)):
        xcopies[c] = pltpu.async_copy(
            x_hbm.at[pl.ds(c * _CHUNK, _CHUNK)], buf_v.at[c], bsems[c]
        )
    row_copy = start_row(f_base)

    scale = float(_COUNT) / (_MAX_VAL - _MIN_VAL)
    for c in range(_NXC):
        xcopies.pop(c).wait()

        @plsc.parallel_loop(0, _CHUNK // _L, unroll=8)
        def compute_idx(g, c=c):
            v = buf_v[c % 2, pl.ds(g * _L, _L)]
            scaled = (v - _MIN_VAL) * scale
            clipped = jnp.clip(scaled, 0.0, float(_COUNT - 1))
            idx_v[pl.ds(c * _CHUNK + g * _L, _L)] = clipped.astype(jnp.int32)

        if c + 2 < _NXC:
            xcopies[c + 2] = pltpu.async_copy(
                x_hbm.at[pl.ds((c + 2) * _CHUNK, _CHUNK)],
                buf_v.at[c % 2],
                bsems[c % 2],
            )

    owrites = {}
    for fi in range(_FPW):
        for rc in row_copy:
            rc.wait()

        for oc in range(_NOC):
            b = oc % 2
            prev = owrites.pop(b, None)
            if prev is not None:
                prev.wait()

            @plsc.parallel_loop(0, _CHUNK // _L, unroll=16)
            def gather_chunk(g, oc=oc, b=b):
                iv = idx_v[pl.ds(oc * _CHUNK + g * _L, _L)]
                buf_v[b, pl.ds(g * _L, _L)] = plsc.load_gather(row_v, [iv])

            owrites[b] = pltpu.async_copy(
                buf_v.at[b],
                out_hbm.at[f_base + fi, pl.ds(oc * _CHUNK, _CHUNK)],
                bsems[b],
            )

        if fi + 1 < _FPW:
            row_copy = start_row(f_base + fi + 1)

    for prev in owrites.values():
        prev.wait()


def kernel(x, table):
    out_t = _bucketed_gather(x, table.T)
    return out_t.T

# --- scband reference (transcript-rebuilt; emitter-appended) ---
"""Pipeline reference for scband-bucketing-embedding-644245095051 (READ-ONLY COPY).

The authoritative reference and input builder live on the scoring server;
editing this copy changes nothing except your own understanding.
"""

import jax, jax.numpy as jnp
import numpy as np

MIN_VAL = 0.0
MAX_VAL = 1.0
COUNT = 100000
DIM = 64
BATCH = 16384


def setup_inputs(seed: int = 0) -> dict:
    key = jax.random.key(seed)
    k1, k2 = jax.random.split(key)
    x = jax.random.uniform(k1, (BATCH,), dtype=jnp.float32)
    # learned embedding table sized per init_kwargs (count, dim)
    table = jax.random.normal(k2, (COUNT, DIM), dtype=jnp.float32) * 0.02
    return {"x": x, "table": table}


def reference(x, table):
    # BucketingEmbedding.forward (use_log_scale=False):
    #   x = count * (x - min_val) / (max_val - min_val)
    #   x = clamp(x, 0, count - 1).long()
    #   return Embedding(x)
    scaled = COUNT * (x - MIN_VAL) / (MAX_VAL - MIN_VAL)
    idx = jnp.clip(scaled, 0, COUNT - 1).astype(jnp.int32)
    return jnp.take(table, idx, axis=0)

if __name__ == "__main__":
    import jax
    _d = setup_inputs()
    print(jax.jit(kernel)(*tuple(_d.values())))

</pallas_src>

<mosaic_0001>
#map = affine_map<(d0, d1) -> (0)>
#map1 = affine_map<(d0, d1) -> (0, 0)>
module attributes {stable_mosaic.version = 14 : i64} {
  func.func @_bucketed_gather(%arg0: i32, %arg1: i32, %arg2: memref<16384xf32, #tpu.memory_space<hbm>>, %arg3: memref<64x100000xf32, #tpu.memory_space<hbm>>, %arg4: memref<64x16384xf32, #tpu.memory_space<hbm>>, %arg5: memref<100000xf32, #tpu.memory_space<vmem>>, %arg6: memref<16384xi32, #tpu.memory_space<vmem>>, %arg7: memref<2x4096xf32, #tpu.memory_space<vmem>>, %arg8: memref<!tpu.dma_semaphore, #tpu.memory_space<semaphore_mem>>, %arg9: memref<!tpu.dma_semaphore, #tpu.memory_space<semaphore_mem>>, %arg10: memref<!tpu.dma_semaphore, #tpu.memory_space<semaphore_mem>>, %arg11: memref<!tpu.dma_semaphore, #tpu.memory_space<semaphore_mem>>) attributes {dimension_semantics = [#tpu.dimension_semantics<core_parallel>, #tpu.dimension_semantics<subcore_parallel>], iteration_bounds = array<i64: 2, 16>, scalar_prefetch = 0 : i64, scratch_operands = 7 : i64, tpu.core_type = #tpu.core_type<sc_vector_subcore>, window_params = [{transform_indices = #map}, {transform_indices = #map1}, {transform_indices = #map1}]} {
    %mul3A = arith.constant 2 : i32
    %mul3A_0 = arith.muli %arg1, %mul3A : i32
    %add3A = arith.addi %mul3A_0, %arg0 : i32
    %mul3A_1 = arith.constant 2 : i32
    %mul3A_2 = arith.muli %add3A, %mul3A_1 : i32
    %dma_start3A = arith.constant 0 : i32
    %dma_start3A_3 = arith.constant 0 : i32
    %dma_start3A_4 = tpu.memref_slice %arg7[%dma_start3A, %dma_start3A_3] : memref<2x4096xf32, #tpu.memory_space<vmem>> -> memref<1x4096xf32, #tpu.memory_space<vmem>>
    %dma_start3A_5 = tpu.memref_squeeze %dma_start3A_4 : memref<1x4096xf32, #tpu.memory_space<vmem>> -> memref<4096xf32, #tpu.memory_space<vmem>>
    %dma_start3A_6 = arith.constant 0 : i32
    %dma_start3A_7 = tpu.memref_slice %arg2[%dma_start3A_6] : memref<16384xf32, #tpu.memory_space<hbm>> -> memref<4096xf32, #tpu.memory_space<hbm>>
    %dma_start3A_8 = arith.constant 0 : i32
    %dma_start3A_9 = tpu.memref_slice %arg7[%dma_start3A, %dma_start3A_8] : memref<2x4096xf32, #tpu.memory_space<vmem>> -> memref<1x4096xf32, #tpu.memory_space<vmem>>
    %dma_start3A_10 = tpu.memref_squeeze %dma_start3A_9 : memref<1x4096xf32, #tpu.memory_space<vmem>> -> memref<4096xf32, #tpu.memory_space<vmem>>
    %dma_start3A_11 = arith.constant 0 : i32
    %dma_start3A_12 = tpu.memref_slice %arg2[%dma_start3A_11] : memref<16384xf32, #tpu.memory_space<hbm>> -> memref<4096xf32, #tpu.memory_space<hbm>>
    tpu.enqueue_dma source(%dma_start3A_12 : memref<4096xf32, #tpu.memory_space<hbm>>) target(%dma_start3A_10 : memref<4096xf32, #tpu.memory_space<vmem>>) target_semaphore(%arg10 : memref<!tpu.dma_semaphore, #tpu.memory_space<semaphore_mem>>)
    %dma_start3A_13 = arith.constant 1 : i32
    %dma_start3A_14 = arith.constant 0 : i32
    %dma_start3A_15 = tpu.memref_slice %arg7[%dma_start3A_13, %dma_start3A_14] : memref<2x4096xf32, #tpu.memory_space<vmem>> -> memref<1x4096xf32, #tpu.memory_space<vmem>>
    %dma_start3A_16 = tpu.memref_squeeze %dma_start3A_15 : memref<1x4096xf32, #tpu.memory_space<vmem>> -> memref<4096xf32, #tpu.memory_space<vmem>>
    %dma_start3A_17 = arith.constant 4096 : i32
    %dma_start3A_18 = tpu.memref_slice %arg2[%dma_start3A_17] : memref<16384xf32, #tpu.memory_space<hbm>> -> memref<4096xf32, #tpu.memory_space<hbm>>
    %dma_start3A_19 = arith.constant 0 : i32
    %dma_start3A_20 = tpu.memref_slice %arg7[%dma_start3A_13, %dma_start3A_19] : memref<2x4096xf32, #tpu.memory_space<vmem>> -> memref<1x4096xf32, #tpu.memory_space<vmem>>
    %dma_start3A_21 = tpu.memref_squeeze %dma_start3A_20 : memref<1x4096xf32, #tpu.memory_space<vmem>> -> memref<4096xf32, #tpu.memory_space<vmem>>
    %dma_start3A_22 = arith.constant 4096 : i32
    %dma_start3A_23 = tpu.memref_slice %arg2[%dma_start3A_22] : memref<16384xf32, #tpu.memory_space<hbm>> -> memref<4096xf32, #tpu.memory_space<hbm>>
    tpu.enqueue_dma source(%dma_start3A_23 : memref<4096xf32, #tpu.memory_space<hbm>>) target(%dma_start3A_21 : memref<4096xf32, #tpu.memory_space<vmem>>) target_semaphore(%arg11 : memref<!tpu.dma_semaphore, #tpu.memory_space<semaphore_mem>>)
    %dma_start3A_24 = arith.constant 0 : i32
    %dma_start3A_25 = tpu.memref_slice %arg3[%mul3A_2, %dma_start3A_24] : memref<64x100000xf32, #tpu.memory_space<hbm>> -> memref<1x100000xf32, #tpu.memory_space<hbm>>
    %dma_start3A_26 = tpu.memref_squeeze %dma_start3A_25 : memref<1x100000xf32, #tpu.memory_space<hbm>> -> memref<100000xf32, #tpu.memory_space<hbm>>
    %dma_start3A_27 = arith.constant 0 : i32
    %dma_start3A_28 = tpu.memref_slice %arg3[%mul3A_2, %dma_start3A_27] : memref<64x100000xf32, #tpu.memory_space<hbm>> -> memref<1x100000xf32, #tpu.memory_space<hbm>>
    %dma_start3A_29 = tpu.memref_squeeze %dma_start3A_28 : memref<1x100000xf32, #tpu.memory_space<hbm>> -> memref<100000xf32, #tpu.memory_space<hbm>>
    tpu.enqueue_dma source(%dma_start3A_29 : memref<100000xf32, #tpu.memory_space<hbm>>) target(%arg5 : memref<100000xf32, #tpu.memory_space<vmem>>) target_semaphore(%arg8 : memref<!tpu.dma_semaphore, #tpu.memory_space<semaphore_mem>>)
    %dma_wait3A = arith.constant 0 : i32
    %dma_wait3A_30 = arith.constant 0 : i32
    %dma_wait3A_31 = tpu.memref_slice %arg7[%dma_wait3A, %dma_wait3A_30] : memref<2x4096xf32, #tpu.memory_space<vmem>> -> memref<1x4096xf32, #tpu.memory_space<vmem>>
    %dma_wait3A_32 = tpu.memref_squeeze %dma_wait3A_31 : memref<1x4096xf32, #tpu.memory_space<vmem>> -> memref<4096xf32, #tpu.memory_space<vmem>>
    %dma_wait3A_33 = arith.constant 0 : i32
    %dma_wait3A_34 = tpu.memref_slice %arg2[%dma_wait3A_33] : memref<16384xf32, #tpu.memory_space<hbm>> -> memref<4096xf32, #tpu.memory_space<hbm>>
    %dma_wait3A_35 = arith.constant 0 : i32
    %dma_wait3A_36 = tpu.memref_slice %arg7[%dma_wait3A, %dma_wait3A_35] : memref<2x4096xf32, #tpu.memory_space<vmem>> -> memref<1x4096xf32, #tpu.memory_space<vmem>>
    %dma_wait3A_37 = tpu.memref_squeeze %dma_wait3A_36 : memref<1x4096xf32, #tpu.memory_space<vmem>> -> memref<4096xf32, #tpu.memory_space<vmem>>
    %dma_wait3A_38 = arith.constant 0 : i32
    %dma_wait3A_39 = tpu.memref_slice %arg2[%dma_wait3A_38] : memref<16384xf32, #tpu.memory_space<hbm>> -> memref<4096xf32, #tpu.memory_space<hbm>>
    tpu.wait_dma2 semaphore(%arg10 : memref<!tpu.dma_semaphore, #tpu.memory_space<semaphore_mem>>) src(%dma_wait3A_39 : memref<4096xf32, #tpu.memory_space<hbm>>) dst(%dma_wait3A_37 : memref<4096xf32, #tpu.memory_space<vmem>>)
    %parallel_loop3A = arith.constant 0 : i32
    %parallel_loop3A_40 = arith.constant 256 : i32
    %parallel_loop3A_41 = arith.constant 1 : i32
    scf.for %parallel_loop3A_376 = %parallel_loop3A to %parallel_loop3A_40 step %parallel_loop3A_41  : i32 {
      %parallel_loop3A_377 = arith.constant 16 : i32
      %parallel_loop3A_378 = arith.muli %parallel_loop3A_376, %parallel_loop3A_377 : i32
      %parallel_loop3A_379 = arith.constant 0 : i32
      %parallel_loop3A_380 = arith.index_cast %parallel_loop3A_379 : i32 to index
      %parallel_loop3A_381 = arith.index_cast %parallel_loop3A_378 : i32 to index
      %parallel_loop3A_382 = tpu.vector_load %arg7[%parallel_loop3A_380, %parallel_loop3A_381] {strides = array<i32>} : memref<2x4096xf32, #tpu.memory_space<vmem>>, vector<16xf32>,
      %parallel_loop3A_383 = arith.constant 0.000000e+00 : f32
      %parallel_loop3A_384 = vector.broadcast %parallel_loop3A_383 : f32 to vector<16xf32>
      %parallel_loop3A_385 = arith.subf %parallel_loop3A_382, %parallel_loop3A_384 : vector<16xf32>
      %parallel_loop3A_386 = arith.constant 1.000000e+05 : f32
      %parallel_loop3A_387 = vector.broadcast %parallel_loop3A_386 : f32 to vector<16xf32>
      %parallel_loop3A_388 = arith.mulf %parallel_loop3A_385, %parallel_loop3A_387 : vector<16xf32>
      %parallel_loop3A_389 = arith.constant 0.000000e+00 : f32
      %parallel_loop3A_390 = arith.constant 9.999900e+04 : f32
      %parallel_loop3A_391 = vector.broadcast %parallel_loop3A_389 : f32 to vector<16xf32>
      %parallel_loop3A_392 = arith.maximumf %parallel_loop3A_391, %parallel_loop3A_388 : vector<16xf32>
      %parallel_loop3A_393 = vector.broadcast %parallel_loop3A_390 : f32 to vector<16xf32>
      %parallel_loop3A_394 = arith.minimumf %parallel_loop3A_393, %parallel_loop3A_392 : vector<16xf32>
      %parallel_loop3A_395 = arith.fptosi %parallel_loop3A_394 : vector<16xf32> to vector<16xi32>
      %parallel_loop3A_396 = arith.constant 16 : i32
      %parallel_loop3A_397 = arith.muli %parallel_loop3A_376, %parallel_loop3A_396 : i32
      %parallel_loop3A_398 = arith.constant 0 : i32
      %parallel_loop3A_399 = arith.addi %parallel_loop3A_398, %parallel_loop3A_397 : i32
      %parallel_loop3A_400 = arith.index_cast %parallel_loop3A_399 : i32 to index
      %parallel_loop3A_401 = tpu.vector_load %arg6[%parallel_loop3A_400] {strides = array<i32>} : memref<16384xi32, #tpu.memory_space<vmem>>, vector<16xi32>,
      tpu.vector_store %arg6[%parallel_loop3A_400], %parallel_loop3A_395 {strides = array<i32>} : memref<16384xi32, #tpu.memory_space<vmem>>, vector<16xi32>,
    } {sc.loop_unroll_factor = 8 : i64, sc.parallel_access}
    %dma_start3A_42 = arith.constant 0 : i32
    %dma_start3A_43 = arith.constant 0 : i32
    %dma_start3A_44 = tpu.memref_slice %arg7[%dma_start3A_42, %dma_start3A_43] : memref<2x4096xf32, #tpu.memory_space<vmem>> -> memref<1x4096xf32, #tpu.memory_space<vmem>>
    %dma_start3A_45 = tpu.memref_squeeze %dma_start3A_44 : memref<1x4096xf32, #tpu.memory_space<vmem>> -> memref<4096xf32, #tpu.memory_space<vmem>>
    %dma_start3A_46 = arith.constant 8192 : i32
    %dma_start3A_47 = tpu.memref_slice %arg2[%dma_start3A_46] : memref<16384xf32, #tpu.memory_space<hbm>> -> memref<4096xf32, #tpu.memory_space<hbm>>
    %dma_start3A_48 = arith.constant 0 : i32
    %dma_start3A_49 = tpu.memref_slice %arg7[%dma_start3A_42, %dma_start3A_48] : memref<2x4096xf32, #tpu.memory_space<vmem>> -> memref<1x4096xf32, #tpu.memory_space<vmem>>
    %dma_start3A_50 = tpu.memref_squeeze %dma_start3A_49 : memref<1x4096xf32, #tpu.memory_space<vmem>> -> memref<4096xf32, #tpu.memory_space<vmem>>
    %dma_start3A_51 = arith.constant 8192 : i32
    %dma_start3A_52 = tpu.memref_slice %arg2[%dma_start3A_51] : memref<16384xf32, #tpu.memory_space<hbm>> -> memref<4096xf32, #tpu.memory_space<hbm>>
    tpu.enqueue_dma source(%dma_start3A_52 : memref<4096xf32, #tpu.memory_space<hbm>>) target(%dma_start3A_50 : memref<4096xf32, #tpu.memory_space<vmem>>) target_semaphore(%arg10 : memref<!tpu.dma_semaphore, #tpu.memory_space<semaphore_mem>>)
    %dma_wait3A_53 = arith.constant 1 : i32
    %dma_wait3A_54 = arith.constant 0 : i32
    %dma_wait3A_55 = tpu.memref_slice %arg7[%dma_wait3A_53, %dma_wait3A_54] : memref<2x4096xf32, #tpu.memory_space<vmem>> -> memref<1x4096xf32, #tpu.memory_space<vmem>>
    %dma_wait3A_56 = tpu.memref_squeeze %dma_wait3A_55 : memref<1x4096xf32, #tpu.memory_space<vmem>> -> memref<4096xf32, #tpu.memory_space<vmem>>
    %dma_wait3A_57 = arith.constant 4096 : i32
    %dma_wait3A_58 = tpu.memref_slice %arg2[%dma_wait3A_57] : memref<16384xf32, #tpu.memory_space<hbm>> -> memref<4096xf32, #tpu.memory_space<hbm>>
    %dma_wait3A_59 = arith.constant 0 : i32
    %dma_wait3A_60 = tpu.memref_slice %arg7[%dma_wait3A_53, %dma_wait3A_59] : memref<2x4096xf32, #tpu.memory_space<vmem>> -> memref<1x4096xf32, #tpu.memory_space<vmem>>
    %dma_wait3A_61 = tpu.memref_squeeze %dma_wait3A_60 : memref<1x4096xf32, #tpu.memory_space<vmem>> -> memref<4096xf32, #tpu.memory_space<vmem>>
    %dma_wait3A_62 = arith.constant 4096 : i32
    %dma_wait3A_63 = tpu.memref_slice %arg2[%dma_wait3A_62] : memref<16384xf32, #tpu.memory_space<hbm>> -> memref<4096xf32, #tpu.memory_space<hbm>>
    tpu.wait_dma2 semaphore(%arg11 : memref<!tpu.dma_semaphore, #tpu.memory_space<semaphore_mem>>) src(%dma_wait3A_63 : memref<4096xf32, #tpu.memory_space<hbm>>) dst(%dma_wait3A_61 : memref<4096xf32, #tpu.memory_space<vmem>>)
    %parallel_loop3A_64 = arith.constant 0 : i32
    %parallel_loop3A_65 = arith.constant 256 : i32
    %parallel_loop3A_66 = arith.constant 1 : i32
    scf.for %parallel_loop3A_376 = %parallel_loop3A_64 to %parallel_loop3A_65 step %parallel_loop3A_66  : i32 {
      %parallel_loop3A_377 = arith.constant 16 : i32
      %parallel_loop3A_378 = arith.muli %parallel_loop3A_376, %parallel_loop3A_377 : i32
      %parallel_loop3A_379 = arith.constant 1 : i32
      %parallel_loop3A_380 = arith.index_cast %parallel_loop3A_379 : i32 to index
      %parallel_loop3A_381 = arith.index_cast %parallel_loop3A_378 : i32 to index
      %parallel_loop3A_382 = tpu.vector_load %arg7[%parallel_loop3A_380, %parallel_loop3A_381] {strides = array<i32>} : memref<2x4096xf32, #tpu.memory_space<vmem>>, vector<16xf32>,
      %parallel_loop3A_383 = arith.constant 0.000000e+00 : f32
      %parallel_loop3A_384 = vector.broadcast %parallel_loop3A_383 : f32 to vector<16xf32>
      %parallel_loop3A_385 = arith.subf %parallel_loop3A_382, %parallel_loop3A_384 : vector<16xf32>
      %parallel_loop3A_386 = arith.constant 1.000000e+05 : f32
      %parallel_loop3A_387 = vector.broadcast %parallel_loop3A_386 : f32 to vector<16xf32>
      %parallel_loop3A_388 = arith.mulf %parallel_loop3A_385, %parallel_loop3A_387 : vector<16xf32>
      %parallel_loop3A_389 = arith.constant 0.000000e+00 : f32
      %parallel_loop3A_390 = arith.constant 9.999900e+04 : f32
      %parallel_loop3A_391 = vector.broadcast %parallel_loop3A_389 : f32 to vector<16xf32>
      %parallel_loop3A_392 = arith.maximumf %parallel_loop3A_391, %parallel_loop3A_388 : vector<16xf32>
      %parallel_loop3A_393 = vector.broadcast %parallel_loop3A_390 : f32 to vector<16xf32>
      %parallel_loop3A_394 = arith.minimumf %parallel_loop3A_393, %parallel_loop3A_392 : vector<16xf32>
      %parallel_loop3A_395 = arith.fptosi %parallel_loop3A_394 : vector<16xf32> to vector<16xi32>
      %parallel_loop3A_396 = arith.constant 16 : i32
      %parallel_loop3A_397 = arith.muli %parallel_loop3A_376, %parallel_loop3A_396 : i32
      %parallel_loop3A_398 = arith.constant 4096 : i32
      %parallel_loop3A_399 = arith.addi %parallel_loop3A_398, %parallel_loop3A_397 : i32
      %parallel_loop3A_400 = arith.index_cast %parallel_loop3A_399 : i32 to index
      %parallel_loop3A_401 = tpu.vector_load %arg6[%parallel_loop3A_400] {strides = array<i32>} : memref<16384xi32, #tpu.memory_space<vmem>>, vector<16xi32>,
      tpu.vector_store %arg6[%parallel_loop3A_400], %parallel_loop3A_395 {strides = array<i32>} : memref<16384xi32, #tpu.memory_space<vmem>>, vector<16xi32>,
    } {sc.loop_unroll_factor = 8 : i64, sc.parallel_access}
    %dma_start3A_67 = arith.constant 1 : i32
    %dma_start3A_68 = arith.constant 0 : i32
    %dma_start3A_69 = tpu.memref_slice %arg7[%dma_start3A_67, %dma_start3A_68] : memref<2x4096xf32, #tpu.memory_space<vmem>> -> memref<1x4096xf32, #tpu.memory_space<vmem>>
    %dma_start3A_70 = tpu.memref_squeeze %dma_start3A_69 : memref<1x4096xf32, #tpu.memory_space<vmem>> -> memref<4096xf32, #tpu.memory_space<vmem>>
    %dma_start3A_71 = arith.constant 12288 : i32
    %dma_start3A_72 = tpu.memref_slice %arg2[%dma_start3A_71] : memref<16384xf32, #tpu.memory_space<hbm>> -> memref<4096xf32, #tpu.memory_space<hbm>>
    %dma_start3A_73 = arith.constant 0 : i32
    %dma_start3A_74 = tpu.memref_slice %arg7[%dma_start3A_67, %dma_start3A_73] : memref<2x4096xf32, #tpu.memory_space<vmem>> -> memref<1x4096xf32, #tpu.memory_space<vmem>>
    %dma_start3A_75 = tpu.memref_squeeze %dma_start3A_74 : memref<1x4096xf32, #tpu.memory_space<vmem>> -> memref<4096xf32, #tpu.memory_space<vmem>>
    %dma_start3A_76 = arith.constant 12288 : i32
    %dma_start3A_77 = tpu.memref_slice %arg2[%dma_start3A_76] : memref<16384xf32, #tpu.memory_space<hbm>> -> memref<4096xf32, #tpu.memory_space<hbm>>
    tpu.enqueue_dma source(%dma_start3A_77 : memref<4096xf32, #tpu.memory_space<hbm>>) target(%dma_start3A_75 : memref<4096xf32, #tpu.memory_space<vmem>>) target_semaphore(%arg11 : memref<!tpu.dma_semaphore, #tpu.memory_space<semaphore_mem>>)
    %dma_wait3A_78 = arith.constant 0 : i32
    %dma_wait3A_79 = arith.constant 0 : i32
    %dma_wait3A_80 = tpu.memref_slice %arg7[%dma_wait3A_78, %dma_wait3A_79] : memref<2x4096xf32, #tpu.memory_space<vmem>> -> memref<1x4096xf32, #tpu.memory_space<vmem>>
    %dma_wait3A_81 = tpu.memref_squeeze %dma_wait3A_80 : memref<1x4096xf32, #tpu.memory_space<vmem>> -> memref<4096xf32, #tpu.memory_space<vmem>>
    %dma_wait3A_82 = arith.constant 8192 : i32
    %dma_wait3A_83 = tpu.memref_slice %arg2[%dma_wait3A_82] : memref<16384xf32, #tpu.memory_space<hbm>> -> memref<4096xf32, #tpu.memory_space<hbm>>
    %dma_wait3A_84 = arith.constant 0 : i32
    %dma_wait3A_85 = tpu.memref_slice %arg7[%dma_wait3A_78, %dma_wait3A_84] : memref<2x4096xf32, #tpu.memory_space<vmem>> -> memref<1x4096xf32, #tpu.memory_space<vmem>>
    %dma_wait3A_86 = tpu.memref_squeeze %dma_wait3A_85 : memref<1x4096xf32, #tpu.memory_space<vmem>> -> memref<4096xf32, #tpu.memory_space<vmem>>
    %dma_wait3A_87 = arith.constant 8192 : i32
    %dma_wait3A_88 = tpu.memref_slice %arg2[%dma_wait3A_87] : memref<16384xf32, #tpu.memory_space<hbm>> -> memref<4096xf32, #tpu.memory_space<hbm>>
    tpu.wait_dma2 semaphore(%arg10 : memref<!tpu.dma_semaphore, #tpu.memory_space<semaphore_mem>>) src(%dma_wait3A_88 : memref<4096xf32, #tpu.memory_space<hbm>>) dst(%dma_wait3A_86 : memref<4096xf32, #tpu.memory_space<vmem>>)
    %parallel_loop3A_89 = arith.constant 0 : i32
    %parallel_loop3A_90 = arith.constant 256 : i32
    %parallel_loop3A_91 = arith.constant 1 : i32
    scf.for %parallel_loop3A_376 = %parallel_loop3A_89 to %parallel_loop3A_90 step %parallel_loop3A_91  : i32 {
      %parallel_loop3A_377 = arith.constant 16 : i32
      %parallel_loop3A_378 = arith.muli %parallel_loop3A_376, %parallel_loop3A_377 : i32
      %parallel_loop3A_379 = arith.constant 0 : i32
      %parallel_loop3A_380 = arith.index_cast %parallel_loop3A_379 : i32 to index
      %parallel_loop3A_381 = arith.index_cast %parallel_loop3A_378 : i32 to index
      %parallel_loop3A_382 = tpu.vector_load %arg7[%parallel_loop3A_380, %parallel_loop3A_381] {strides = array<i32>} : memref<2x4096xf32, #tpu.memory_space<vmem>>, vector<16xf32>,
      %parallel_loop3A_383 = arith.constant 0.000000e+00 : f32
      %parallel_loop3A_384 = vector.broadcast %parallel_loop3A_383 : f32 to vector<16xf32>
      %parallel_loop3A_385 = arith.subf %parallel_loop3A_382, %parallel_loop3A_384 : vector<16xf32>
      %parallel_loop3A_386 = arith.constant 1.000000e+05 : f32
      %parallel_loop3A_387 = vector.broadcast %parallel_loop3A_386 : f32 to vector<16xf32>
      %parallel_loop3A_388 = arith.mulf %parallel_loop3A_385, %parallel_loop3A_387 : vector<16xf32>
      %parallel_loop3A_389 = arith.constant 0.000000e+00 : f32
      %parallel_loop3A_390 = arith.constant 9.999900e+04 : f32
      %parallel_loop3A_391 = vector.broadcast %parallel_loop3A_389 : f32 to vector<16xf32>
      %parallel_loop3A_392 = arith.maximumf %parallel_loop3A_391, %parallel_loop3A_388 : vector<16xf32>
      %parallel_loop3A_393 = vector.broadcast %parallel_loop3A_390 : f32 to vector<16xf32>
      %parallel_loop3A_394 = arith.minimumf %parallel_loop3A_393, %parallel_loop3A_392 : vector<16xf32>
      %parallel_loop3A_395 = arith.fptosi %parallel_loop3A_394 : vector<16xf32> to vector<16xi32>
      %parallel_loop3A_396 = arith.constant 16 : i32
      %parallel_loop3A_397 = arith.muli %parallel_loop3A_376, %parallel_loop3A_396 : i32
      %parallel_loop3A_398 = arith.constant 8192 : i32
      %parallel_loop3A_399 = arith.addi %parallel_loop3A_398, %parallel_loop3A_397 : i32
      %parallel_loop3A_400 = arith.index_cast %parallel_loop3A_399 : i32 to index
      %parallel_loop3A_401 = tpu.vector_load %arg6[%parallel_loop3A_400] {strides = array<i32>} : memref<16384xi32, #tpu.memory_space<vmem>>, vector<16xi32>,
      tpu.vector_store %arg6[%parallel_loop3A_400], %parallel_loop3A_395 {strides = array<i32>} : memref<16384xi32, #tpu.memory_space<vmem>>, vector<16xi32>,
    } {sc.loop_unroll_factor = 8 : i64, sc.parallel_access}
    %dma_wait3A_92 = arith.constant 1 : i32
    %dma_wait3A_93 = arith.constant 0 : i32
    %dma_wait3A_94 = tpu.memref_slice %arg7[%dma_wait3A_92, %dma_wait3A_93] : memref<2x4096xf32, #tpu.memory_space<vmem>> -> memref<1x4096xf32, #tpu.memory_space<vmem>>
    %dma_wait3A_95 = tpu.memref_squeeze %dma_wait3A_94 : memref<1x4096xf32, #tpu.memory_space<vmem>> -> memref<4096xf32, #tpu.memory_space<vmem>>
    %dma_wait3A_96 = arith.constant 12288 : i32
    %dma_wait3A_97 = tpu.memref_slice %arg2[%dma_wait3A_96] : memref<16384xf32, #tpu.memory_space<hbm>> -> memref<4096xf32, #tpu.memory_space<hbm>>
    %dma_wait3A_98 = arith.constant 0 : i32
    %dma_wait3A_99 = tpu.memref_slice %arg7[%dma_wait3A_92, %dma_wait3A_98] : memref<2x4096xf32, #tpu.memory_space<vmem>> -> memref<1x4096xf32, #tpu.memory_space<vmem>>
    %dma_wait3A_100 = tpu.memref_squeeze %dma_wait3A_99 : memref<1x4096xf32, #tpu.memory_space<vmem>> -> memref<4096xf32, #tpu.memory_space<vmem>>
    %dma_wait3A_101 = arith.constant 12288 : i32
    %dma_wait3A_102 = tpu.memref_slice %arg2[%dma_wait3A_101] : memref<16384xf32, #tpu.memory_space<hbm>> -> memref<4096xf32, #tpu.memory_space<hbm>>
    tpu.wait_dma2 semaphore(%arg11 : memref<!tpu.dma_semaphore, #tpu.memory_space<semaphore_mem>>) src(%dma_wait3A_102 : memref<4096xf32, #tpu.memory_space<hbm>>) dst(%dma_wait3A_100 : memref<4096xf32, #tpu.memory_space<vmem>>)
    %parallel_loop3A_103 = arith.constant 0 : i32
    %parallel_loop3A_104 = arith.constant 256 : i32
    %parallel_loop3A_105 = arith.constant 1 : i32
    scf.for %parallel_loop3A_376 = %parallel_loop3A_103 to %parallel_loop3A_104 step %parallel_loop3A_105  : i32 {
      %parallel_loop3A_377 = arith.constant 16 : i32
      %parallel_loop3A_378 = arith.muli %parallel_loop3A_376, %parallel_loop3A_377 : i32
      %parallel_loop3A_379 = arith.constant 1 : i32
      %parallel_loop3A_380 = arith.index_cast %parallel_loop3A_379 : i32 to index
      %parallel_loop3A_381 = arith.index_cast %parallel_loop3A_378 : i32 to index
      %parallel_loop3A_382 = tpu.vector_load %arg7[%parallel_loop3A_380, %parallel_loop3A_381] {strides = array<i32>} : memref<2x4096xf32, #tpu.memory_space<vmem>>, vector<16xf32>,
      %parallel_loop3A_383 = arith.constant 0.000000e+00 : f32
      %parallel_loop3A_384 = vector.broadcast %parallel_loop3A_383 : f32 to vector<16xf32>
      %parallel_loop3A_385 = arith.subf %parallel_loop3A_382, %parallel_loop3A_384 : vector<16xf32>
      %parallel_loop3A_386 = arith.constant 1.000000e+05 : f32
      %parallel_loop3A_387 = vector.broadcast %parallel_loop3A_386 : f32 to vector<16xf32>
      %parallel_loop3A_388 = arith.mulf %parallel_loop3A_385, %parallel_loop3A_387 : vector<16xf32>
      %parallel_loop3A_389 = arith.constant 0.000000e+00 : f32
      %parallel_loop3A_390 = arith.constant 9.999900e+04 : f32
      %parallel_loop3A_391 = vector.broadcast %parallel_loop3A_389 : f32 to vector<16xf32>
      %parallel_loop3A_392 = arith.maximumf %parallel_loop3A_391, %parallel_loop3A_388 : vector<16xf32>
      %parallel_loop3A_393 = vector.broadcast %parallel_loop3A_390 : f32 to vector<16xf32>
      %parallel_loop3A_394 = arith.minimumf %parallel_loop3A_393, %parallel_loop3A_392 : vector<16xf32>
      %parallel_loop3A_395 = arith.fptosi %parallel_loop3A_394 : vector<16xf32> to vector<16xi32>
      %parallel_loop3A_396 = arith.constant 16 : i32
      %parallel_loop3A_397 = arith.muli %parallel_loop3A_376, %parallel_loop3A_396 : i32
      %parallel_loop3A_398 = arith.constant 12288 : i32
      %parallel_loop3A_399 = arith.addi %parallel_loop3A_398, %parallel_loop3A_397 : i32
      %parallel_loop3A_400 = arith.index_cast %parallel_loop3A_399 : i32 to index
      %parallel_loop3A_401 = tpu.vector_load %arg6[%parallel_loop3A_400] {strides = array<i32>} : memref<16384xi32, #tpu.memory_space<vmem>>, vector<16xi32>,
      tpu.vector_store %arg6[%parallel_loop3A_400], %parallel_loop3A_395 {strides = array<i32>} : memref<16384xi32, #tpu.memory_space<vmem>>, vector<16xi32>,
    } {sc.loop_unroll_factor = 8 : i64, sc.parallel_access}
    %dma_wait3A_106 = arith.constant 0 : i32
    %dma_wait3A_107 = tpu.memref_slice %arg3[%mul3A_2, %dma_wait3A_106] : memref<64x100000xf32, #tpu.memory_space<hbm>> -> memref<1x100000xf32, #tpu.memory_space<hbm>>
    %dma_wait3A_108 = tpu.memref_squeeze %dma_wait3A_107 : memref<1x100000xf32, #tpu.memory_space<hbm>> -> memref<100000xf32, #tpu.memory_space<hbm>>
    %dma_wait3A_109 = arith.constant 0 : i32
    %dma_wait3A_110 = tpu.memref_slice %arg3[%mul3A_2, %dma_wait3A_109] : memref<64x100000xf32, #tpu.memory_space<hbm>> -> memref<1x100000xf32, #tpu.memory_space<hbm>>
    %dma_wait3A_111 = tpu.memref_squeeze %dma_wait3A_110 : memref<1x100000xf32, #tpu.memory_space<hbm>> -> memref<100000xf32, #tpu.memory_space<hbm>>
    tpu.wait_dma2 semaphore(%arg8 : memref<!tpu.dma_semaphore, #tpu.memory_space<semaphore_mem>>) src(%dma_wait3A_111 : memref<100000xf32, #tpu.memory_space<hbm>>) dst(%arg5 : memref<100000xf32, #tpu.memory_space<vmem>>)
    %parallel_loop3A_112 = arith.constant 0 : i32
    %parallel_loop3A_113 = arith.constant 256 : i32
    %parallel_loop3A_114 = arith.constant 1 : i32
    scf.for %parallel_loop3A_376 = %parallel_loop3A_112 to %parallel_loop3A_113 step %parallel_loop3A_114  : i32 {
      %parallel_loop3A_377 = arith.constant 16 : i32
      %parallel_loop3A_378 = arith.muli %parallel_loop3A_376, %parallel_loop3A_377 : i32
      %parallel_loop3A_379 = arith.constant 0 : i32
      %parallel_loop3A_380 = arith.addi %parallel_loop3A_379, %parallel_loop3A_378 : i32
      %parallel_loop3A_381 = arith.index_cast %parallel_loop3A_380 : i32 to index
      %parallel_loop3A_382 = tpu.vector_load %arg6[%parallel_loop3A_381] {strides = array<i32>} : memref<16384xi32, #tpu.memory_space<vmem>>, vector<16xi32>,
      %parallel_loop3A_383 = tpu.vector_load_idx %arg5[%parallel_loop3A_382] : memref<100000xf32, #tpu.memory_space<vmem>>[vector<16xi32>], vector<16xf32>,
      %parallel_loop3A_384 = arith.constant 16 : i32
      %parallel_loop3A_385 = arith.muli %parallel_loop3A_376, %parallel_loop3A_384 : i32
      %parallel_loop3A_386 = arith.constant 0 : i32
      %parallel_loop3A_387 = arith.index_cast %parallel_loop3A_386 : i32 to index
      %parallel_loop3A_388 = arith.index_cast %parallel_loop3A_385 : i32 to index
      %parallel_loop3A_389 = tpu.vector_load %arg7[%parallel_loop3A_387, %parallel_loop3A_388] {strides = array<i32>} : memref<2x4096xf32, #tpu.memory_space<vmem>>, vector<16xf32>,
      tpu.vector_store %arg7[%parallel_loop3A_387, %parallel_loop3A_388], %parallel_loop3A_383 {strides = array<i32>} : memref<2x4096xf32, #tpu.memory_space<vmem>>, vector<16xf32>,
    } {sc.loop_unroll_factor = 16 : i64, sc.parallel_access}
    %add3A_115 = arith.constant 0 : i32
    %add3A_116 = arith.addi %mul3A_2, %add3A_115 : i32
    %dma_start3A_117 = arith.constant 0 : i32
    %dma_start3A_118 = arith.constant 0 : i32
    %dma_start3A_119 = tpu.memref_slice %arg7[%dma_start3A_117, %dma_start3A_118] : memref<2x4096xf32, #tpu.memory_space<vmem>> -> memref<1x4096xf32, #tpu.memory_space<vmem>>
    %dma_start3A_120 = tpu.memref_squeeze %dma_start3A_119 : memref<1x4096xf32, #tpu.memory_space<vmem>> -> memref<4096xf32, #tpu.memory_space<vmem>>
    %dma_start3A_121 = arith.constant 0 : i32
    %dma_start3A_122 = tpu.memref_slice %arg4[%add3A_116, %dma_start3A_121] : memref<64x16384xf32, #tpu.memory_space<hbm>> -> memref<1x4096xf32, #tpu.memory_space<hbm>>
    %dma_start3A_123 = tpu.memref_squeeze %dma_start3A_122 : memref<1x4096xf32, #tpu.memory_space<hbm>> -> memref<4096xf32, #tpu.memory_space<hbm>>
    %dma_start3A_124 = arith.constant 0 : i32
    %dma_start3A_125 = tpu.memref_slice %arg4[%add3A_116, %dma_start3A_124] : memref<64x16384xf32, #tpu.memory_space<hbm>> -> memref<1x4096xf32, #tpu.memory_space<hbm>>
    %dma_start3A_126 = tpu.memref_squeeze %dma_start3A_125 : memref<1x4096xf32, #tpu.memory_space<hbm>> -> memref<4096xf32, #tpu.memory_space<hbm>>
    %dma_start3A_127 = arith.constant 0 : i32
    %dma_start3A_128 = tpu.memref_slice %arg7[%dma_start3A_117, %dma_start3A_127] : memref<2x4096xf32, #tpu.memory_space<vmem>> -> memref<1x4096xf32, #tpu.memory_space<vmem>>
    %dma_start3A_129 = tpu.memref_squeeze %dma_start3A_128 : memref<1x4096xf32, #tpu.memory_space<vmem>> -> memref<4096xf32, #tpu.memory_space<vmem>>
    tpu.enqueue_dma source(%dma_start3A_129 : memref<4096xf32, #tpu.memory_space<vmem>>) target(%dma_start3A_126 : memref<4096xf32, #tpu.memory_space<hbm>>) target_semaphore(%arg10 : memref<!tpu.dma_semaphore, #tpu.memory_space<semaphore_mem>>)
    %parallel_loop3A_130 = arith.constant 0 : i32
    %parallel_loop3A_131 = arith.constant 256 : i32
    %parallel_loop3A_132 = arith.constant 1 : i32
    scf.for %parallel_loop3A_376 = %parallel_loop3A_130 to %parallel_loop3A_131 step %parallel_loop3A_132  : i32 {
      %parallel_loop3A_377 = arith.constant 16 : i32
      %parallel_loop3A_378 = arith.muli %parallel_loop3A_376, %parallel_loop3A_377 : i32
      %parallel_loop3A_379 = arith.constant 4096 : i32
      %parallel_loop3A_380 = arith.addi %parallel_loop3A_379, %parallel_loop3A_378 : i32
      %parallel_loop3A_381 = arith.index_cast %parallel_loop3A_380 : i32 to index
      %parallel_loop3A_382 = tpu.vector_load %arg6[%parallel_loop3A_381] {strides = array<i32>} : memref<16384xi32, #tpu.memory_space<vmem>>, vector<16xi32>,
      %parallel_loop3A_383 = tpu.vector_load_idx %arg5[%parallel_loop3A_382] : memref<100000xf32, #tpu.memory_space<vmem>>[vector<16xi32>], vector<16xf32>,
      %parallel_loop3A_384 = arith.constant 16 : i32
      %parallel_loop3A_385 = arith.muli %parallel_loop3A_376, %parallel_loop3A_384 : i32
      %parallel_loop3A_386 = arith.constant 1 : i32
      %parallel_loop3A_387 = arith.index_cast %parallel_loop3A_386 : i32 to index
      %parallel_loop3A_388 = arith.index_cast %parallel_loop3A_385 : i32 to index
      %parallel_loop3A_389 = tpu.vector_load %arg7[%parallel_loop3A_387, %parallel_loop3A_388] {strides = array<i32>} : memref<2x4096xf32, #tpu.memory_space<vmem>>, vector<16xf32>,
      tpu.vector_store %arg7[%parallel_loop3A_387, %parallel_loop3A_388], %parallel_loop3A_383 {strides = array<i32>} : memref<2x4096xf32, #tpu.memory_space<vmem>>, vector<16xf32>,
    } {sc.loop_unroll_factor = 16 : i64, sc.parallel_access}
    %add3A_133 = arith.constant 0 : i32
    %add3A_134 = arith.addi %mul3A_2, %add3A_133 : i32
    %dma_start3A_135 = arith.constant 1 : i32
    %dma_start3A_136 = arith.constant 0 : i32
    %dma_start3A_137 = tpu.memref_slice %arg7[%dma_start3A_135, %dma_start3A_136] : memref<2x4096xf32, #tpu.memory_space<vmem>> -> memref<1x4096xf32, #tpu.memory_space<vmem>>
    %dma_start3A_138 = tpu.memref_squeeze %dma_start3A_137 : memref<1x4096xf32, #tpu.memory_space<vmem>> -> memref<4096xf32, #tpu.memory_space<vmem>>
    %dma_start3A_139 = arith.constant 4096 : i32
    %dma_start3A_140 = tpu.memref_slice %arg4[%add3A_134, %dma_start3A_139] : memref<64x16384xf32, #tpu.memory_space<hbm>> -> memref<1x4096xf32, #tpu.memory_space<hbm>>
    %dma_start3A_141 = tpu.memref_squeeze %dma_start3A_140 : memref<1x4096xf32, #tpu.memory_space<hbm>> -> memref<4096xf32, #tpu.memory_space<hbm>>
    %dma_start3A_142 = arith.constant 4096 : i32
    %dma_start3A_143 = tpu.memref_slice %arg4[%add3A_134, %dma_start3A_142] : memref<64x16384xf32, #tpu.memory_space<hbm>> -> memref<1x4096xf32, #tpu.memory_space<hbm>>
    %dma_start3A_144 = tpu.memref_squeeze %dma_start3A_143 : memref<1x4096xf32, #tpu.memory_space<hbm>> -> memref<4096xf32, #tpu.memory_space<hbm>>
    %dma_start3A_145 = arith.constant 0 : i32
    %dma_start3A_146 = tpu.memref_slice %arg7[%dma_start3A_135, %dma_start3A_145] : memref<2x4096xf32, #tpu.memory_space<vmem>> -> memref<1x4096xf32, #tpu.memory_space<vmem>>
    %dma_start3A_147 = tpu.memref_squeeze %dma_start3A_146 : memref<1x4096xf32, #tpu.memory_space<vmem>> -> memref<4096xf32, #tpu.memory_space<vmem>>
    tpu.enqueue_dma source(%dma_start3A_147 : memref<4096xf32, #tpu.memory_space<vmem>>) target(%dma_start3A_144 : memref<4096xf32, #tpu.memory_space<hbm>>) target_semaphore(%arg11 : memref<!tpu.dma_semaphore, #tpu.memory_space<semaphore_mem>>)
    %dma_wait3A_148 = arith.constant 0 : i32
    %dma_wait3A_149 = arith.constant 0 : i32
    %dma_wait3A_150 = tpu.memref_slice %arg7[%dma_wait3A_148, %dma_wait3A_149] : memref<2x4096xf32, #tpu.memory_space<vmem>> -> memref<1x4096xf32, #tpu.memory_space<vmem>>
    %dma_wait3A_151 = tpu.memref_squeeze %dma_wait3A_150 : memref<1x4096xf32, #tpu.memory_space<vmem>> -> memref<4096xf32, #tpu.memory_space<vmem>>
    %dma_wait3A_152 = arith.constant 0 : i32
    %dma_wait3A_153 = tpu.memref_slice %arg4[%add3A_116, %dma_wait3A_152] : memref<64x16384xf32, #tpu.memory_space<hbm>> -> memref<1x4096xf32, #tpu.memory_space<hbm>>
    %dma_wait3A_154 = tpu.memref_squeeze %dma_wait3A_153 : memref<1x4096xf32, #tpu.memory_space<hbm>> -> memref<4096xf32, #tpu.memory_space<hbm>>
    %dma_wait3A_155 = arith.constant 0 : i32
    %dma_wait3A_156 = tpu.memref_slice %arg4[%add3A_116, %dma_wait3A_155] : memref<64x16384xf32, #tpu.memory_space<hbm>> -> memref<1x4096xf32, #tpu.memory_space<hbm>>
    %dma_wait3A_157 = tpu.memref_squeeze %dma_wait3A_156 : memref<1x4096xf32, #tpu.memory_space<hbm>> -> memref<4096xf32, #tpu.memory_space<hbm>>
    %dma_wait3A_158 = arith.constant 0 : i32
    %dma_wait3A_159 = tpu.memref_slice %arg7[%dma_wait3A_148, %dma_wait3A_158] : memref<2x4096xf32, #tpu.memory_space<vmem>> -> memref<1x4096xf32, #tpu.memory_space<vmem>>
    %dma_wait3A_160 = tpu.memref_squeeze %dma_wait3A_159 : memref<1x4096xf32, #tpu.memory_space<vmem>> -> memref<4096xf32, #tpu.memory_space<vmem>>
    tpu.wait_dma2 semaphore(%arg10 : memref<!tpu.dma_semaphore, #tpu.memory_space<semaphore_mem>>) src(%dma_wait3A_160 : memref<4096xf32, #tpu.memory_space<vmem>>) dst(%dma_wait3A_157 : memref<4096xf32, #tpu.memory_space<hbm>>)
    %parallel_loop3A_161 = arith.constant 0 : i32
    %parallel_loop3A_162 = arith.constant 256 : i32
    %parallel_loop3A_163 = arith.constant 1 : i32
    scf.for %parallel_loop3A_376 = %parallel_loop3A_161 to %parallel_loop3A_162 step %parallel_loop3A_163  : i32 {
      %parallel_loop3A_377 = arith.constant 16 : i32
      %parallel_loop3A_378 = arith.muli %parallel_loop3A_376, %parallel_loop3A_377 : i32
      %parallel_loop3A_379 = arith.constant 8192 : i32
      %parallel_loop3A_380 = arith.addi %parallel_loop3A_379, %parallel_loop3A_378 : i32
      %parallel_loop3A_381 = arith.index_cast %parallel_loop3A_380 : i32 to index
      %parallel_loop3A_382 = tpu.vector_load %arg6[%parallel_loop3A_381] {strides = array<i32>} : memref<16384xi32, #tpu.memory_space<vmem>>, vector<16xi32>,
      %parallel_loop3A_383 = tpu.vector_load_idx %arg5[%parallel_loop3A_382] : memref<100000xf32, #tpu.memory_space<vmem>>[vector<16xi32>], vector<16xf32>,
      %parallel_loop3A_384 = arith.constant 16 : i32
      %parallel_loop3A_385 = arith.muli %parallel_loop3A_376, %parallel_loop3A_384 : i32
      %parallel_loop3A_386 = arith.constant 0 : i32
      %parallel_loop3A_387 = arith.index_cast %parallel_loop3A_386 : i32 to index
      %parallel_loop3A_388 = arith.index_cast %parallel_loop3A_385 : i32 to index
      %parallel_loop3A_389 = tpu.vector_load %arg7[%parallel_loop3A_387, %parallel_loop3A_388] {strides = array<i32>} : memref<2x4096xf32, #tpu.memory_space<vmem>>, vector<16xf32>,
      tpu.vector_store %arg7[%parallel_loop3A_387, %parallel_loop3A_388], %parallel_loop3A_383 {strides = array<i32>} : memref<2x4096xf32, #tpu.memory_space<vmem>>, vector<16xf32>,
    } {sc.loop_unroll_factor = 16 : i64, sc.parallel_access}
    %add3A_164 = arith.constant 0 : i32
    %add3A_165 = arith.addi %mul3A_2, %add3A_164 : i32
    %dma_start3A_166 = arith.constant 0 : i32
    %dma_start3A_167 = arith.constant 0 : i32
    %dma_start3A_168 = tpu.memref_slice %arg7[%dma_start3A_166, %dma_start3A_167] : memref<2x4096xf32, #tpu.memory_space<vmem>> -> memref<1x4096xf32, #tpu.memory_space<vmem>>
    %dma_start3A_169 = tpu.memref_squeeze %dma_start3A_168 : memref<1x4096xf32, #tpu.memory_space<vmem>> -> memref<4096xf32, #tpu.memory_space<vmem>>
    %dma_start3A_170 = arith.constant 8192 : i32
    %dma_start3A_171 = tpu.memref_slice %arg4[%add3A_165, %dma_start3A_170] : memref<64x16384xf32, #tpu.memory_space<hbm>> -> memref<1x4096xf32, #tpu.memory_space<hbm>>
    %dma_start3A_172 = tpu.memref_squeeze %dma_start3A_171 : memref<1x4096xf32, #tpu.memory_space<hbm>> -> memref<4096xf32, #tpu.memory_space<hbm>>
    %dma_start3A_173 = arith.constant 8192 : i32
    %dma_start3A_174 = tpu.memref_slice %arg4[%add3A_165, %dma_start3A_173] : memref<64x16384xf32, #tpu.memory_space<hbm>> -> memref<1x4096xf32, #tpu.memory_space<hbm>>
    %dma_start3A_175 = tpu.memref_squeeze %dma_start3A_174 : memref<1x4096xf32, #tpu.memory_space<hbm>> -> memref<4096xf32, #tpu.memory_space<hbm>>
    %dma_start3A_176 = arith.constant 0 : i32
    %dma_start3A_177 = tpu.memref_slice %arg7[%dma_start3A_166, %dma_start3A_176] : memref<2x4096xf32, #tpu.memory_space<vmem>> -> memref<1x4096xf32, #tpu.memory_space<vmem>>
    %dma_start3A_178 = tpu.memref_squeeze %dma_start3A_177 : memref<1x4096xf32, #tpu.memory_space<vmem>> -> memref<4096xf32, #tpu.memory_space<vmem>>
    tpu.enqueue_dma source(%dma_start3A_178 : memref<4096xf32, #tpu.memory_space<vmem>>) target(%dma_start3A_175 : memref<4096xf32, #tpu.memory_space<hbm>>) target_semaphore(%arg10 : memref<!tpu.dma_semaphore, #tpu.memory_space<semaphore_mem>>)
    %dma_wait3A_179 = arith.constant 1 : i32
    %dma_wait3A_180 = arith.constant 0 : i32
    %dma_wait3A_181 = tpu.memref_slice %arg7[%dma_wait3A_179, %dma_wait3A_180] : memref<2x4096xf32, #tpu.memory_space<vmem>> -> memref<1x4096xf32, #tpu.memory_space<vmem>>
    %dma_wait3A_182 = tpu.memref_squeeze %dma_wait3A_181 : memref<1x4096xf32, #tpu.memory_space<vmem>> -> memref<4096xf32, #tpu.memory_space<vmem>>
    %dma_wait3A_183 = arith.constant 4096 : i32
    %dma_wait3A_184 = tpu.memref_slice %arg4[%add3A_134, %dma_wait3A_183] : memref<64x16384xf32, #tpu.memory_space<hbm>> -> memref<1x4096xf32, #tpu.memory_space<hbm>>
    %dma_wait3A_185 = tpu.memref_squeeze %dma_wait3A_184 : memref<1x4096xf32, #tpu.memory_space<hbm>> -> memref<4096xf32, #tpu.memory_space<hbm>>
    %dma_wait3A_186 = arith.constant 4096 : i32
    %dma_wait3A_187 = tpu.memref_slice %arg4[%add3A_134, %dma_wait3A_186] : memref<64x16384xf32, #tpu.memory_space<hbm>> -> memref<1x4096xf32, #tpu.memory_space<hbm>>
    %dma_wait3A_188 = tpu.memref_squeeze %dma_wait3A_187 : memref<1x4096xf32, #tpu.memory_space<hbm>> -> memref<4096xf32, #tpu.memory_space<hbm>>
    %dma_wait3A_189 = arith.constant 0 : i32
    %dma_wait3A_190 = tpu.memref_slice %arg7[%dma_wait3A_179, %dma_wait3A_189] : memref<2x4096xf32, #tpu.memory_space<vmem>> -> memref<1x4096xf32, #tpu.memory_space<vmem>>
    %dma_wait3A_191 = tpu.memref_squeeze %dma_wait3A_190 : memref<1x4096xf32, #tpu.memory_space<vmem>> -> memref<4096xf32, #tpu.memory_space<vmem>>
    tpu.wait_dma2 semaphore(%arg11 : memref<!tpu.dma_semaphore, #tpu.memory_space<semaphore_mem>>) src(%dma_wait3A_191 : memref<4096xf32, #tpu.memory_space<vmem>>) dst(%dma_wait3A_188 : memref<4096xf32, #tpu.memory_space<hbm>>)
    %parallel_loop3A_192 = arith.constant 0 : i32
    %parallel_loop3A_193 = arith.constant 256 : i32
    %parallel_loop3A_194 = arith.constant 1 : i32
    scf.for %parallel_loop3A_376 = %parallel_loop3A_192 to %parallel_loop3A_193 step %parallel_loop3A_194  : i32 {
      %parallel_loop3A_377 = arith.constant 16 : i32
      %parallel_loop3A_378 = arith.muli %parallel_loop3A_376, %parallel_loop3A_377 : i32
      %parallel_loop3A_379 = arith.constant 12288 : i32
      %parallel_loop3A_380 = arith.addi %parallel_loop3A_379, %parallel_loop3A_378 : i32
      %parallel_loop3A_381 = arith.index_cast %parallel_loop3A_380 : i32 to index
      %parallel_loop3A_382 = tpu.vector_load %arg6[%parallel_loop3A_381] {strides = array<i32>} : memref<16384xi32, #tpu.memory_space<vmem>>, vector<16xi32>,
      %parallel_loop3A_383 = tpu.vector_load_idx %arg5[%parallel_loop3A_382] : memref<100000xf32, #tpu.memory_space<vmem>>[vector<16xi32>], vector<16xf32>,
      %parallel_loop3A_384 = arith.constant 16 : i32
      %parallel_loop3A_385 = arith.muli %parallel_loop3A_376, %parallel_loop3A_384 : i32
      %parallel_loop3A_386 = arith.constant 1 : i32
      %parallel_loop3A_387 = arith.index_cast %parallel_loop3A_386 : i32 to index
      %parallel_loop3A_388 = arith.index_cast %parallel_loop3A_385 : i32 to index
      %parallel_loop3A_389 = tpu.vector_load %arg7[%parallel_loop3A_387, %parallel_loop3A_388] {strides = array<i32>} : memref<2x4096xf32, #tpu.memory_space<vmem>>, vector<16xf32>,
      tpu.vector_store %arg7[%parallel_loop3A_387, %parallel_loop3A_388], %parallel_loop3A_383 {strides = array<i32>} : memref<2x4096xf32, #tpu.memory_space<vmem>>, vector<16xf32>,
    } {sc.loop_unroll_factor = 16 : i64, sc.parallel_access}
    %add3A_195 = arith.constant 0 : i32
    %add3A_196 = arith.addi %mul3A_2, %add3A_195 : i32
    %dma_start3A_197 = arith.constant 1 : i32
    %dma_start3A_198 = arith.constant 0 : i32
    %dma_start3A_199 = tpu.memref_slice %arg7[%dma_start3A_197, %dma_start3A_198] : memref<2x4096xf32, #tpu.memory_space<vmem>> -> memref<1x4096xf32, #tpu.memory_space<vmem>>
    %dma_start3A_200 = tpu.memref_squeeze %dma_start3A_199 : memref<1x4096xf32, #tpu.memory_space<vmem>> -> memref<4096xf32, #tpu.memory_space<vmem>>
    %dma_start3A_201 = arith.constant 12288 : i32
    %dma_start3A_202 = tpu.memref_slice %arg4[%add3A_196, %dma_start3A_201] : memref<64x16384xf32, #tpu.memory_space<hbm>> -> memref<1x4096xf32, #tpu.memory_space<hbm>>
    %dma_start3A_203 = tpu.memref_squeeze %dma_start3A_202 : memref<1x4096xf32, #tpu.memory_space<hbm>> -> memref<4096xf32, #tpu.memory_space<hbm>>
    %dma_start3A_204 = arith.constant 12288 : i32
    %dma_start3A_205 = tpu.memref_slice %arg4[%add3A_196, %dma_start3A_204] : memref<64x16384xf32, #tpu.memory_space<hbm>> -> memref<1x4096xf32, #tpu.memory_space<hbm>>
    %dma_start3A_206 = tpu.memref_squeeze %dma_start3A_205 : memref<1x4096xf32, #tpu.memory_space<hbm>> -> memref<4096xf32, #tpu.memory_space<hbm>>
    %dma_start3A_207 = arith.constant 0 : i32
    %dma_start3A_208 = tpu.memref_slice %arg7[%dma_start3A_197, %dma_start3A_207] : memref<2x4096xf32, #tpu.memory_space<vmem>> -> memref<1x4096xf32, #tpu.memory_space<vmem>>
    %dma_start3A_209 = tpu.memref_squeeze %dma_start3A_208 : memref<1x4096xf32, #tpu.memory_space<vmem>> -> memref<4096xf32, #tpu.memory_space<vmem>>
    tpu.enqueue_dma source(%dma_start3A_209 : memref<4096xf32, #tpu.memory_space<vmem>>) target(%dma_start3A_206 : memref<4096xf32, #tpu.memory_space<hbm>>) target_semaphore(%arg11 : memref<!tpu.dma_semaphore, #tpu.memory_space<semaphore_mem>>)
    %add3A_210 = arith.constant 0 : i32
    %add3A_211 = arith.addi %mul3A_2, %add3A_210 : i32
    %add3A_212 = arith.constant 1 : i32
    %add3A_213 = arith.addi %add3A_211, %add3A_212 : i32
    %dma_start3A_214 = arith.constant 0 : i32
    %dma_start3A_215 = tpu.memref_slice %arg3[%add3A_213, %dma_start3A_214] : memref<64x100000xf32, #tpu.memory_space<hbm>> -> memref<1x100000xf32, #tpu.memory_space<hbm>>
    %dma_start3A_216 = tpu.memref_squeeze %dma_start3A_215 : memref<1x100000xf32, #tpu.memory_space<hbm>> -> memref<100000xf32, #tpu.memory_space<hbm>>
    %dma_start3A_217 = arith.constant 0 : i32
    %dma_start3A_218 = tpu.memref_slice %arg3[%add3A_213, %dma_start3A_217] : memref<64x100000xf32, #tpu.memory_space<hbm>> -> memref<1x100000xf32, #tpu.memory_space<hbm>>
    %dma_start3A_219 = tpu.memref_squeeze %dma_start3A_218 : memref<1x100000xf32, #tpu.memory_space<hbm>> -> memref<100000xf32, #tpu.memory_space<hbm>>
    tpu.enqueue_dma source(%dma_start3A_219 : memref<100000xf32, #tpu.memory_space<hbm>>) target(%arg5 : memref<100000xf32, #tpu.memory_space<vmem>>) target_semaphore(%arg8 : memref<!tpu.dma_semaphore, #tpu.memory_space<semaphore_mem>>)
    %dma_wait3A_220 = arith.constant 0 : i32
    %dma_wait3A_221 = tpu.memref_slice %arg3[%add3A_213, %dma_wait3A_220] : memref<64x100000xf32, #tpu.memory_space<hbm>> -> memref<1x100000xf32, #tpu.memory_space<hbm>>
    %dma_wait3A_222 = tpu.memref_squeeze %dma_wait3A_221 : memref<1x100000xf32, #tpu.memory_space<hbm>> -> memref<100000xf32, #tpu.memory_space<hbm>>
    %dma_wait3A_223 = arith.constant 0 : i32
    %dma_wait3A_224 = tpu.memref_slice %arg3[%add3A_213, %dma_wait3A_223] : memref<64x100000xf32, #tpu.memory_space<hbm>> -> memref<1x100000xf32, #tpu.memory_space<hbm>>
    %dma_wait3A_225 = tpu.memref_squeeze %dma_wait3A_224 : memref<1x100000xf32, #tpu.memory_space<hbm>> -> memref<100000xf32, #tpu.memory_space<hbm>>
    tpu.wait_dma2 semaphore(%arg8 : memref<!tpu.dma_semaphore, #tpu.memory_space<semaphore_mem>>) src(%dma_wait3A_225 : memref<100000xf32, #tpu.memory_space<hbm>>) dst(%arg5 : memref<100000xf32, #tpu.memory_space<vmem>>)
    %dma_wait3A_226 = arith.constant 0 : i32
    %dma_wait3A_227 = arith.constant 0 : i32
    %dma_wait3A_228 = tpu.memref_slice %arg7[%dma_wait3A_226, %dma_wait3A_227] : memref<2x4096xf32, #tpu.memory_space<vmem>> -> memref<1x4096xf32, #tpu.memory_space<vmem>>
    %dma_wait3A_229 = tpu.memref_squeeze %dma_wait3A_228 : memref<1x4096xf32, #tpu.memory_space<vmem>> -> memref<4096xf32, #tpu.memory_space<vmem>>
    %dma_wait3A_230 = arith.constant 8192 : i32
    %dma_wait3A_231 = tpu.memref_slice %arg4[%add3A_165, %dma_wait3A_230] : memref<64x16384xf32, #tpu.memory_space<hbm>> -> memref<1x4096xf32, #tpu.memory_space<hbm>>
    %dma_wait3A_232 = tpu.memref_squeeze %dma_wait3A_231 : memref<1x4096xf32, #tpu.memory_space<hbm>> -> memref<4096xf32, #tpu.memory_space<hbm>>
    %dma_wait3A_233 = arith.constant 8192 : i32
    %dma_wait3A_234 = tpu.memref_slice %arg4[%add3A_165, %dma_wait3A_233] : memref<64x16384xf32, #tpu.memory_space<hbm>> -> memref<1x4096xf32, #tpu.memory_space<hbm>>
    %dma_wait3A_235 = tpu.memref_squeeze %dma_wait3A_234 : memref<1x4096xf32, #tpu.memory_space<hbm>> -> memref<4096xf32, #tpu.memory_space<hbm>>
    %dma_wait3A_236 = arith.constant 0 : i32
    %dma_wait3A_237 = tpu.memref_slice %arg7[%dma_wait3A_226, %dma_wait3A_236] : memref<2x4096xf32, #tpu.memory_space<vmem>> -> memref<1x4096xf32, #tpu.memory_space<vmem>>
    %dma_wait3A_238 = tpu.memref_squeeze %dma_wait3A_237 : memref<1x4096xf32, #tpu.memory_space<vmem>> -> memref<4096xf32, #tpu.memory_space<vmem>>
    tpu.wait_dma2 semaphore(%arg10 : memref<!tpu.dma_semaphore, #tpu.memory_space<semaphore_mem>>) src(%dma_wait3A_238 : memref<4096xf32, #tpu.memory_space<vmem>>) dst(%dma_wait3A_235 : memref<4096xf32, #tpu.memory_space<hbm>>)
    %parallel_loop3A_239 = arith.constant 0 : i32
    %parallel_loop3A_240 = arith.constant 256 : i32
    %parallel_loop3A_241 = arith.constant 1 : i32
    scf.for %parallel_loop3A_376 = %parallel_loop3A_239 to %parallel_loop3A_240 step %parallel_loop3A_241  : i32 {
      %parallel_loop3A_377 = arith.constant 16 : i32
      %parallel_loop3A_378 = arith.muli %parallel_loop3A_376, %parallel_loop3A_377 : i32
      %parallel_loop3A_379 = arith.constant 0 : i32
      %parallel_loop3A_380 = arith.addi %parallel_loop3A_379, %parallel_loop3A_378 : i32
      %parallel_loop3A_381 = arith.index_cast %parallel_loop3A_380 : i32 to index
      %parallel_loop3A_382 = tpu.vector_load %arg6[%parallel_loop3A_381] {strides = array<i32>} : memref<16384xi32, #tpu.memory_space<vmem>>, vector<16xi32>,
      %parallel_loop3A_383 = tpu.vector_load_idx %arg5[%parallel_loop3A_382] : memref<100000xf32, #tpu.memory_space<vmem>>[vector<16xi32>], vector<16xf32>,
      %parallel_loop3A_384 = arith.constant 16 : i32
      %parallel_loop3A_385 = arith.muli %parallel_loop3A_376, %parallel_loop3A_384 : i32
      %parallel_loop3A_386 = arith.constant 0 : i32
      %parallel_loop3A_387 = arith.index_cast %parallel_loop3A_386 : i32 to index
      %parallel_loop3A_388 = arith.index_cast %parallel_loop3A_385 : i32 to index
      %parallel_loop3A_389 = tpu.vector_load %arg7[%parallel_loop3A_387, %parallel_loop3A_388] {strides = array<i32>} : memref<2x4096xf32, #tpu.memory_space<vmem>>, vector<16xf32>,
      tpu.vector_store %arg7[%parallel_loop3A_387, %parallel_loop3A_388], %parallel_loop3A_383 {strides = array<i32>} : memref<2x4096xf32, #tpu.memory_space<vmem>>, vector<16xf32>,
    } {sc.loop_unroll_factor = 16 : i64, sc.parallel_access}
    %add3A_242 = arith.constant 1 : i32
    %add3A_243 = arith.addi %mul3A_2, %add3A_242 : i32
    %dma_start3A_244 = arith.constant 0 : i32
    %dma_start3A_245 = arith.constant 0 : i32
    %dma_start3A_246 = tpu.memref_slice %arg7[%dma_start3A_244, %dma_start3A_245] : memref<2x4096xf32, #tpu.memory_space<vmem>> -> memref<1x4096xf32, #tpu.memory_space<vmem>>
    %dma_start3A_247 = tpu.memref_squeeze %dma_start3A_246 : memref<1x4096xf32, #tpu.memory_space<vmem>> -> memref<4096xf32, #tpu.memory_space<vmem>>
    %dma_start3A_248 = arith.constant 0 : i32
    %dma_start3A_249 = tpu.memref_slice %arg4[%add3A_243, %dma_start3A_248] : memref<64x16384xf32, #tpu.memory_space<hbm>> -> memref<1x4096xf32, #tpu.memory_space<hbm>>
    %dma_start3A_250 = tpu.memref_squeeze %dma_start3A_249 : memref<1x4096xf32, #tpu.memory_space<hbm>> -> memref<4096xf32, #tpu.memory_space<hbm>>
    %dma_start3A_251 = arith.constant 0 : i32
    %dma_start3A_252 = tpu.memref_slice %arg4[%add3A_243, %dma_start3A_251] : memref<64x16384xf32, #tpu.memory_space<hbm>> -> memref<1x4096xf32, #tpu.memory_space<hbm>>
    %dma_start3A_253 = tpu.memref_squeeze %dma_start3A_252 : memref<1x4096xf32, #tpu.memory_space<hbm>> -> memref<4096xf32, #tpu.memory_space<hbm>>
    %dma_start3A_254 = arith.constant 0 : i32
    %dma_start3A_255 = tpu.memref_slice %arg7[%dma_start3A_244, %dma_start3A_254] : memref<2x4096xf32, #tpu.memory_space<vmem>> -> memref<1x4096xf32, #tpu.memory_space<vmem>>
    %dma_start3A_256 = tpu.memref_squeeze %dma_start3A_255 : memref<1x4096xf32, #tpu.memory_space<vmem>> -> memref<4096xf32, #tpu.memory_space<vmem>>
    tpu.enqueue_dma source(%dma_start3A_256 : memref<4096xf32, #tpu.memory_space<vmem>>) target(%dma_start3A_253 : memref<4096xf32, #tpu.memory_space<hbm>>) target_semaphore(%arg10 : memref<!tpu.dma_semaphore, #tpu.memory_space<semaphore_mem>>)
    %dma_wait3A_257 = arith.constant 1 : i32
    %dma_wait3A_258 = arith.constant 0 : i32
    %dma_wait3A_259 = tpu.memref_slice %arg7[%dma_wait3A_257, %dma_wait3A_258] : memref<2x4096xf32, #tpu.memory_space<vmem>> -> memref<1x4096xf32, #tpu.memory_space<vmem>>
    %dma_wait3A_260 = tpu.memref_squeeze %dma_wait3A_259 : memref<1x4096xf32, #tpu.memory_space<vmem>> -> memref<4096xf32, #tpu.memory_space<vmem>>
    %dma_wait3A_261 = arith.constant 12288 : i32
    %dma_wait3A_262 = tpu.memref_slice %arg4[%add3A_196, %dma_wait3A_261] : memref<64x16384xf32, #tpu.memory_space<hbm>> -> memref<1x4096xf32, #tpu.memory_space<hbm>>
    %dma_wait3A_263 = tpu.memref_squeeze %dma_wait3A_262 : memref<1x4096xf32, #tpu.memory_space<hbm>> -> memref<4096xf32, #tpu.memory_space<hbm>>
    %dma_wait3A_264 = arith.constant 12288 : i32
    %dma_wait3A_265 = tpu.memref_slice %arg4[%add3A_196, %dma_wait3A_264] : memref<64x16384xf32, #tpu.memory_space<hbm>> -> memref<1x4096xf32, #tpu.memory_space<hbm>>
    %dma_wait3A_266 = tpu.memref_squeeze %dma_wait3A_265 : memref<1x4096xf32, #tpu.memory_space<hbm>> -> memref<4096xf32, #tpu.memory_space<hbm>>
    %dma_wait3A_267 = arith.constant 0 : i32
    %dma_wait3A_268 = tpu.memref_slice %arg7[%dma_wait3A_257, %dma_wait3A_267] : memref<2x4096xf32, #tpu.memory_space<vmem>> -> memref<1x4096xf32, #tpu.memory_space<vmem>>
    %dma_wait3A_269 = tpu.memref_squeeze %dma_wait3A_268 : memref<1x4096xf32, #tpu.memory_space<vmem>> -> memref<4096xf32, #tpu.memory_space<vmem>>
    tpu.wait_dma2 semaphore(%arg11 : memref<!tpu.dma_semaphore, #tpu.memory_space<semaphore_mem>>) src(%dma_wait3A_269 : memref<4096xf32, #tpu.memory_space<vmem>>) dst(%dma_wait3A_266 : memref<4096xf32, #tpu.memory_space<hbm>>)
    %parallel_loop3A_270 = arith.constant 0 : i32
    %parallel_loop3A_271 = arith.constant 256 : i32
    %parallel_loop3A_272 = arith.constant 1 : i32
    scf.for %parallel_loop3A_376 = %parallel_loop3A_270 to %parallel_loop3A_271 step %parallel_loop3A_272  : i32 {
      %parallel_loop3A_377 = arith.constant 16 : i32
      %parallel_loop3A_378 = arith.muli %parallel_loop3A_376, %parallel_loop3A_377 : i32
      %parallel_loop3A_379 = arith.constant 4096 : i32
      %parallel_loop3A_380 = arith.addi %parallel_loop3A_379, %parallel_loop3A_378 : i32
      %parallel_loop3A_381 = arith.index_cast %parallel_loop3A_380 : i32 to index
      %parallel_loop3A_382 = tpu.vector_load %arg6[%parallel_loop3A_381] {strides = array<i32>} : memref<16384xi32, #tpu.memory_space<vmem>>, vector<16xi32>,
      %parallel_loop3A_383 = tpu.vector_load_idx %arg5[%parallel_loop3A_382] : memref<100000xf32, #tpu.memory_space<vmem>>[vector<16xi32>], vector<16xf32>,
      %parallel_loop3A_384 = arith.constant 16 : i32
      %parallel_loop3A_385 = arith.muli %parallel_loop3A_376, %parallel_loop3A_384 : i32
      %parallel_loop3A_386 = arith.constant 1 : i32
      %parallel_loop3A_387 = arith.index_cast %parallel_loop3A_386 : i32 to index
      %parallel_loop3A_388 = arith.index_cast %parallel_loop3A_385 : i32 to index
      %parallel_loop3A_389 = tpu.vector_load %arg7[%parallel_loop3A_387, %parallel_loop3A_388] {strides = array<i32>} : memref<2x4096xf32, #tpu.memory_space<vmem>>, vector<16xf32>,
      tpu.vector_store %arg7[%parallel_loop3A_387, %parallel_loop3A_388], %parallel_loop3A_383 {strides = array<i32>} : memref<2x4096xf32, #tpu.memory_space<vmem>>, vector<16xf32>,
    } {sc.loop_unroll_factor = 16 : i64, sc.parallel_access}
    %add3A_273 = arith.constant 1 : i32
    %add3A_274 = arith.addi %mul3A_2, %add3A_273 : i32
    %dma_start3A_275 = arith.constant 1 : i32
    %dma_start3A_276 = arith.constant 0 : i32
    %dma_start3A_277 = tpu.memref_slice %arg7[%dma_start3A_275, %dma_start3A_276] : memref<2x4096xf32, #tpu.memory_space<vmem>> -> memref<1x4096xf32, #tpu.memory_space<vmem>>
    %dma_start3A_278 = tpu.memref_squeeze %dma_start3A_277 : memref<1x4096xf32, #tpu.memory_space<vmem>> -> memref<4096xf32, #tpu.memory_space<vmem>>
    %dma_start3A_279 = arith.constant 4096 : i32
    %dma_start3A_280 = tpu.memref_slice %arg4[%add3A_274, %dma_start3A_279] : memref<64x16384xf32, #tpu.memory_space<hbm>> -> memref<1x4096xf32, #tpu.memory_space<hbm>>
    %dma_start3A_281 = tpu.memref_squeeze %dma_start3A_280 : memref<1x4096xf32, #tpu.memory_space<hbm>> -> memref<4096xf32, #tpu.memory_space<hbm>>
    %dma_start3A_282 = arith.constant 4096 : i32
    %dma_start3A_283 = tpu.memref_slice %arg4[%add3A_274, %dma_start3A_282] : memref<64x16384xf32, #tpu.memory_space<hbm>> -> memref<1x4096xf32, #tpu.memory_space<hbm>>
    %dma_start3A_284 = tpu.memref_squeeze %dma_start3A_283 : memref<1x4096xf32, #tpu.memory_space<hbm>> -> memref<4096xf32, #tpu.memory_space<hbm>>
    %dma_start3A_285 = arith.constant 0 : i32
    %dma_start3A_286 = tpu.memref_slice %arg7[%dma_start3A_275, %dma_start3A_285] : memref<2x4096xf32, #tpu.memory_space<vmem>> -> memref<1x4096xf32, #tpu.memory_space<vmem>>
    %dma_start3A_287 = tpu.memref_squeeze %dma_start3A_286 : memref<1x4096xf32, #tpu.memory_space<vmem>> -> memref<4096xf32, #tpu.memory_space<vmem>>
    tpu.enqueue_dma source(%dma_start3A_287 : memref<4096xf32, #tpu.memory_space<vmem>>) target(%dma_start3A_284 : memref<4096xf32, #tpu.memory_space<hbm>>) target_semaphore(%arg11 : memref<!tpu.dma_semaphore, #tpu.memory_space<semaphore_mem>>)
    %dma_wait3A_288 = arith.constant 0 : i32
    %dma_wait3A_289 = arith.constant 0 : i32
    %dma_wait3A_290 = tpu.memref_slice %arg7[%dma_wait3A_288, %dma_wait3A_289] : memref<2x4096xf32, #tpu.memory_space<vmem>> -> memref<1x4096xf32, #tpu.memory_space<vmem>>
    %dma_wait3A_291 = tpu.memref_squeeze %dma_wait3A_290 : memref<1x4096xf32, #tpu.memory_space<vmem>> -> memref<4096xf32, #tpu.memory_space<vmem>>
    %dma_wait3A_292 = arith.constant 0 : i32
    %dma_wait3A_293 = tpu.memref_slice %arg4[%add3A_243, %dma_wait3A_292] : memref<64x16384xf32, #tpu.memory_space<hbm>> -> memref<1x4096xf32, #tpu.memory_space<hbm>>
    %dma_wait3A_294 = tpu.memref_squeeze %dma_wait3A_293 : memref<1x4096xf32, #tpu.memory_space<hbm>> -> memref<4096xf32, #tpu.memory_space<hbm>>
    %dma_wait3A_295 = arith.constant 0 : i32
    %dma_wait3A_296 = tpu.memref_slice %arg4[%add3A_243, %dma_wait3A_295] : memref<64x16384xf32, #tpu.memory_space<hbm>> -> memref<1x4096xf32, #tpu.memory_space<hbm>>
    %dma_wait3A_297 = tpu.memref_squeeze %dma_wait3A_296 : memref<1x4096xf32, #tpu.memory_space<hbm>> -> memref<4096xf32, #tpu.memory_space<hbm>>
    %dma_wait3A_298 = arith.constant 0 : i32
    %dma_wait3A_299 = tpu.memref_slice %arg7[%dma_wait3A_288, %dma_wait3A_298] : memref<2x4096xf32, #tpu.memory_space<vmem>> -> memref<1x4096xf32, #tpu.memory_space<vmem>>
    %dma_wait3A_300 = tpu.memref_squeeze %dma_wait3A_299 : memref<1x4096xf32, #tpu.memory_space<vmem>> -> memref<4096xf32, #tpu.memory_space<vmem>>
    tpu.wait_dma2 semaphore(%arg10 : memref<!tpu.dma_semaphore, #tpu.memory_space<semaphore_mem>>) src(%dma_wait3A_300 : memref<4096xf32, #tpu.memory_space<vmem>>) dst(%dma_wait3A_297 : memref<4096xf32, #tpu.memory_space<hbm>>)
    %parallel_loop3A_301 = arith.constant 0 : i32
    %parallel_loop3A_302 = arith.constant 256 : i32
    %parallel_loop3A_303 = arith.constant 1 : i32
    scf.for %parallel_loop3A_376 = %parallel_loop3A_301 to %parallel_loop3A_302 step %parallel_loop3A_303  : i32 {
      %parallel_loop3A_377 = arith.constant 16 : i32
      %parallel_loop3A_378 = arith.muli %parallel_loop3A_376, %parallel_loop3A_377 : i32
      %parallel_loop3A_379 = arith.constant 8192 : i32
      %parallel_loop3A_380 = arith.addi %parallel_loop3A_379, %parallel_loop3A_378 : i32
      %parallel_loop3A_381 = arith.index_cast %parallel_loop3A_380 : i32 to index
      %parallel_loop3A_382 = tpu.vector_load %arg6[%parallel_loop3A_381] {strides = array<i32>} : memref<16384xi32, #tpu.memory_space<vmem>>, vector<16xi32>,
      %parallel_loop3A_383 = tpu.vector_load_idx %arg5[%parallel_loop3A_382] : memref<100000xf32, #tpu.memory_space<vmem>>[vector<16xi32>], vector<16xf32>,
      %parallel_loop3A_384 = arith.constant 16 : i32
      %parallel_loop3A_385 = arith.muli %parallel_loop3A_376, %parallel_loop3A_384 : i32
      %parallel_loop3A_386 = arith.constant 0 : i32
      %parallel_loop3A_387 = arith.index_cast %parallel_loop3A_386 : i32 to index
      %parallel_loop3A_388 = arith.index_cast %parallel_loop3A_385 : i32 to index
      %parallel_loop3A_389 = tpu.vector_load %arg7[%parallel_loop3A_387, %parallel_loop3A_388] {strides = array<i32>} : memref<2x4096xf32, #tpu.memory_space<vmem>>, vector<16xf32>,
      tpu.vector_store %arg7[%parallel_loop3A_387, %parallel_loop3A_388], %parallel_loop3A_383 {strides = array<i32>} : memref<2x4096xf32, #tpu.memory_space<vmem>>, vector<16xf32>,
    } {sc.loop_unroll_factor = 16 : i64, sc.parallel_access}
    %add3A_304 = arith.constant 1 : i32
    %add3A_305 = arith.addi %mul3A_2, %add3A_304 : i32
    %dma_start3A_306 = arith.constant 0 : i32
    %dma_start3A_307 = arith.constant 0 : i32
    %dma_start3A_308 = tpu.memref_slice %arg7[%dma_start3A_306, %dma_start3A_307] : memref<2x4096xf32, #tpu.memory_space<vmem>> -> memref<1x4096xf32, #tpu.memory_space<vmem>>
    %dma_start3A_309 = tpu.memref_squeeze %dma_start3A_308 : memref<1x4096xf32, #tpu.memory_space<vmem>> -> memref<4096xf32, #tpu.memory_space<vmem>>
    %dma_start3A_310 = arith.constant 8192 : i32
    %dma_start3A_311 = tpu.memref_slice %arg4[%add3A_305, %dma_start3A_310] : memref<64x16384xf32, #tpu.memory_space<hbm>> -> memref<1x4096xf32, #tpu.memory_space<hbm>>
    %dma_start3A_312 = tpu.memref_squeeze %dma_start3A_311 : memref<1x4096xf32, #tpu.memory_space<hbm>> -> memref<4096xf32, #tpu.memory_space<hbm>>
    %dma_start3A_313 = arith.constant 8192 : i32
    %dma_start3A_314 = tpu.memref_slice %arg4[%add3A_305, %dma_start3A_313] : memref<64x16384xf32, #tpu.memory_space<hbm>> -> memref<1x4096xf32, #tpu.memory_space<hbm>>
    %dma_start3A_315 = tpu.memref_squeeze %dma_start3A_314 : memref<1x4096xf32, #tpu.memory_space<hbm>> -> memref<4096xf32, #tpu.memory_space<hbm>>
    %dma_start3A_316 = arith.constant 0 : i32
    %dma_start3A_317 = tpu.memref_slice %arg7[%dma_start3A_306, %dma_start3A_316] : memref<2x4096xf32, #tpu.memory_space<vmem>> -> memref<1x4096xf32, #tpu.memory_space<vmem>>
    %dma_start3A_318 = tpu.memref_squeeze %dma_start3A_317 : memref<1x4096xf32, #tpu.memory_space<vmem>> -> memref<4096xf32, #tpu.memory_space<vmem>>
    tpu.enqueue_dma source(%dma_start3A_318 : memref<4096xf32, #tpu.memory_space<vmem>>) target(%dma_start3A_315 : memref<4096xf32, #tpu.memory_space<hbm>>) target_semaphore(%arg10 : memref<!tpu.dma_semaphore, #tpu.memory_space<semaphore_mem>>)
    %dma_wait3A_319 = arith.constant 1 : i32
    %dma_wait3A_320 = arith.constant 0 : i32
    %dma_wait3A_321 = tpu.memref_slice %arg7[%dma_wait3A_319, %dma_wait3A_320] : memref<2x4096xf32, #tpu.memory_space<vmem>> -> memref<1x4096xf32, #tpu.memory_space<vmem>>
    %dma_wait3A_322 = tpu.memref_squeeze %dma_wait3A_321 : memref<1x4096xf32, #tpu.memory_space<vmem>> -> memref<4096xf32, #tpu.memory_space<vmem>>
    %dma_wait3A_323 = arith.constant 4096 : i32
    %dma_wait3A_324 = tpu.memref_slice %arg4[%add3A_274, %dma_wait3A_323] : memref<64x16384xf32, #tpu.memory_space<hbm>> -> memref<1x4096xf32, #tpu.memory_space<hbm>>
    %dma_wait3A_325 = tpu.memref_squeeze %dma_wait3A_324 : memref<1x4096xf32, #tpu.memory_space<hbm>> -> memref<4096xf32, #tpu.memory_space<hbm>>
    %dma_wait3A_326 = arith.constant 4096 : i32
    %dma_wait3A_327 = tpu.memref_slice %arg4[%add3A_274, %dma_wait3A_326] : memref<64x16384xf32, #tpu.memory_space<hbm>> -> memref<1x4096xf32, #tpu.memory_space<hbm>>
    %dma_wait3A_328 = tpu.memref_squeeze %dma_wait3A_327 : memref<1x4096xf32, #tpu.memory_space<hbm>> -> memref<4096xf32, #tpu.memory_space<hbm>>
    %dma_wait3A_329 = arith.constant 0 : i32
    %dma_wait3A_330 = tpu.memref_slice %arg7[%dma_wait3A_319, %dma_wait3A_329] : memref<2x4096xf32, #tpu.memory_space<vmem>> -> memref<1x4096xf32, #tpu.memory_space<vmem>>
    %dma_wait3A_331 = tpu.memref_squeeze %dma_wait3A_330 : memref<1x4096xf32, #tpu.memory_space<vmem>> -> memref<4096xf32, #tpu.memory_space<vmem>>
    tpu.wait_dma2 semaphore(%arg11 : memref<!tpu.dma_semaphore, #tpu.memory_space<semaphore_mem>>) src(%dma_wait3A_331 : memref<4096xf32, #tpu.memory_space<vmem>>) dst(%dma_wait3A_328 : memref<4096xf32, #tpu.memory_space<hbm>>)
    %parallel_loop3A_332 = arith.constant 0 : i32
    %parallel_loop3A_333 = arith.constant 256 : i32
    %parallel_loop3A_334 = arith.constant 1 : i32
    scf.for %parallel_loop3A_376 = %parallel_loop3A_332 to %parallel_loop3A_333 step %parallel_loop3A_334  : i32 {
      %parallel_loop3A_377 = arith.constant 16 : i32
      %parallel_loop3A_378 = arith.muli %parallel_loop3A_376, %parallel_loop3A_377 : i32
      %parallel_loop3A_379 = arith.constant 12288 : i32
      %parallel_loop3A_380 = arith.addi %parallel_loop3A_379, %parallel_loop3A_378 : i32
      %parallel_loop3A_381 = arith.index_cast %parallel_loop3A_380 : i32 to index
      %parallel_loop3A_382 = tpu.vector_load %arg6[%parallel_loop3A_381] {strides = array<i32>} : memref<16384xi32, #tpu.memory_space<vmem>>, vector<16xi32>,
      %parallel_loop3A_383 = tpu.vector_load_idx %arg5[%parallel_loop3A_382] : memref<100000xf32, #tpu.memory_space<vmem>>[vector<16xi32>], vector<16xf32>,
      %parallel_loop3A_384 = arith.constant 16 : i32
      %parallel_loop3A_385 = arith.muli %parallel_loop3A_376, %parallel_loop3A_384 : i32
      %parallel_loop3A_386 = arith.constant 1 : i32
      %parallel_loop3A_387 = arith.index_cast %parallel_loop3A_386 : i32 to index
      %parallel_loop3A_388 = arith.index_cast %parallel_loop3A_385 : i32 to index
      %parallel_loop3A_389 = tpu.vector_load %arg7[%parallel_loop3A_387, %parallel_loop3A_388] {strides = array<i32>} : memref<2x4096xf32, #tpu.memory_space<vmem>>, vector<16xf32>,
      tpu.vector_store %arg7[%parallel_loop3A_387, %parallel_loop3A_388], %parallel_loop3A_383 {strides = array<i32>} : memref<2x4096xf32, #tpu.memory_space<vmem>>, vector<16xf32>,
    } {sc.loop_unroll_factor = 16 : i64, sc.parallel_access}
    %add3A_335 = arith.constant 1 : i32
    %add3A_336 = arith.addi %mul3A_2, %add3A_335 : i32
    %dma_start3A_337 = arith.constant 1 : i32
    %dma_start3A_338 = arith.constant 0 : i32
    %dma_start3A_339 = tpu.memref_slice %arg7[%dma_start3A_337, %dma_start3A_338] : memref<2x4096xf32, #tpu.memory_space<vmem>> -> memref<1x4096xf32, #tpu.memory_space<vmem>>
    %dma_start3A_340 = tpu.memref_squeeze %dma_start3A_339 : memref<1x4096xf32, #tpu.memory_space<vmem>> -> memref<4096xf32, #tpu.memory_space<vmem>>
    %dma_start3A_341 = arith.constant 12288 : i32
    %dma_start3A_342 = tpu.memref_slice %arg4[%add3A_336, %dma_start3A_341] : memref<64x16384xf32, #tpu.memory_space<hbm>> -> memref<1x4096xf32, #tpu.memory_space<hbm>>
    %dma_start3A_343 = tpu.memref_squeeze %dma_start3A_342 : memref<1x4096xf32, #tpu.memory_space<hbm>> -> memref<4096xf32, #tpu.memory_space<hbm>>
    %dma_start3A_344 = arith.constant 12288 : i32
    %dma_start3A_345 = tpu.memref_slice %arg4[%add3A_336, %dma_start3A_344] : memref<64x16384xf32, #tpu.memory_space<hbm>> -> memref<1x4096xf32, #tpu.memory_space<hbm>>
    %dma_start3A_346 = tpu.memref_squeeze %dma_start3A_345 : memref<1x4096xf32, #tpu.memory_space<hbm>> -> memref<4096xf32, #tpu.memory_space<hbm>>
    %dma_start3A_347 = arith.constant 0 : i32
    %dma_start3A_348 = tpu.memref_slice %arg7[%dma_start3A_337, %dma_start3A_347] : memref<2x4096xf32, #tpu.memory_space<vmem>> -> memref<1x4096xf32, #tpu.memory_space<vmem>>
    %dma_start3A_349 = tpu.memref_squeeze %dma_start3A_348 : memref<1x4096xf32, #tpu.memory_space<vmem>> -> memref<4096xf32, #tpu.memory_space<vmem>>
    tpu.enqueue_dma source(%dma_start3A_349 : memref<4096xf32, #tpu.memory_space<vmem>>) target(%dma_start3A_346 : memref<4096xf32, #tpu.memory_space<hbm>>) target_semaphore(%arg11 : memref<!tpu.dma_semaphore, #tpu.memory_space<semaphore_mem>>)
    %dma_wait3A_350 = arith.constant 0 : i32
    %dma_wait3A_351 = arith.constant 0 : i32
    %dma_wait3A_352 = tpu.memref_slice %arg7[%dma_wait3A_350, %dma_wait3A_351] : memref<2x4096xf32, #tpu.memory_space<vmem>> -> memref<1x4096xf32, #tpu.memory_space<vmem>>
    %dma_wait3A_353 = tpu.memref_squeeze %dma_wait3A_352 : memref<1x4096xf32, #tpu.memory_space<vmem>> -> memref<4096xf32, #tpu.memory_space<vmem>>
    %dma_wait3A_354 = arith.constant 8192 : i32
    %dma_wait3A_355 = tpu.memref_slice %arg4[%add3A_305, %dma_wait3A_354] : memref<64x16384xf32, #tpu.memory_space<hbm>> -> memref<1x4096xf32, #tpu.memory_space<hbm>>
    %dma_wait3A_356 = tpu.memref_squeeze %dma_wait3A_355 : memref<1x4096xf32, #tpu.memory_space<hbm>> -> memref<4096xf32, #tpu.memory_space<hbm>>
    %dma_wait3A_357 = arith.constant 8192 : i32
    %dma_wait3A_358 = tpu.memref_slice %arg4[%add3A_305, %dma_wait3A_357] : memref<64x16384xf32, #tpu.memory_space<hbm>> -> memref<1x4096xf32, #tpu.memory_space<hbm>>
    %dma_wait3A_359 = tpu.memref_squeeze %dma_wait3A_358 : memref<1x4096xf32, #tpu.memory_space<hbm>> -> memref<4096xf32, #tpu.memory_space<hbm>>
    %dma_wait3A_360 = arith.constant 0 : i32
    %dma_wait3A_361 = tpu.memref_slice %arg7[%dma_wait3A_350, %dma_wait3A_360] : memref<2x4096xf32, #tpu.memory_space<vmem>> -> memref<1x4096xf32, #tpu.memory_space<vmem>>
    %dma_wait3A_362 = tpu.memref_squeeze %dma_wait3A_361 : memref<1x4096xf32, #tpu.memory_space<vmem>> -> memref<4096xf32, #tpu.memory_space<vmem>>
    tpu.wait_dma2 semaphore(%arg10 : memref<!tpu.dma_semaphore, #tpu.memory_space<semaphore_mem>>) src(%dma_wait3A_362 : memref<4096xf32, #tpu.memory_space<vmem>>) dst(%dma_wait3A_359 : memref<4096xf32, #tpu.memory_space<hbm>>)
    %dma_wait3A_363 = arith.constant 1 : i32
    %dma_wait3A_364 = arith.constant 0 : i32
    %dma_wait3A_365 = tpu.memref_slice %arg7[%dma_wait3A_363, %dma_wait3A_364] : memref<2x4096xf32, #tpu.memory_space<vmem>> -> memref<1x4096xf32, #tpu.memory_space<vmem>>
    %dma_wait3A_366 = tpu.memref_squeeze %dma_wait3A_365 : memref<1x4096xf32, #tpu.memory_space<vmem>> -> memref<4096xf32, #tpu.memory_space<vmem>>
    %dma_wait3A_367 = arith.constant 12288 : i32
    %dma_wait3A_368 = tpu.memref_slice %arg4[%add3A_336, %dma_wait3A_367] : memref<64x16384xf32, #tpu.memory_space<hbm>> -> memref<1x4096xf32, #tpu.memory_space<hbm>>
    %dma_wait3A_369 = tpu.memref_squeeze %dma_wait3A_368 : memref<1x4096xf32, #tpu.memory_space<hbm>> -> memref<4096xf32, #tpu.memory_space<hbm>>
    %dma_wait3A_370 = arith.constant 12288 : i32
    %dma_wait3A_371 = tpu.memref_slice %arg4[%add3A_336, %dma_wait3A_370] : memref<64x16384xf32, #tpu.memory_space<hbm>> -> memref<1x4096xf32, #tpu.memory_space<hbm>>
    %dma_wait3A_372 = tpu.memref_squeeze %dma_wait3A_371 : memref<1x4096xf32, #tpu.memory_space<hbm>> -> memref<4096xf32, #tpu.memory_space<hbm>>
    %dma_wait3A_373 = arith.constant 0 : i32
    %dma_wait3A_374 = tpu.memref_slice %arg7[%dma_wait3A_363, %dma_wait3A_373] : memref<2x4096xf32, #tpu.memory_space<vmem>> -> memref<1x4096xf32, #tpu.memory_space<vmem>>
    %dma_wait3A_375 = tpu.memref_squeeze %dma_wait3A_374 : memref<1x4096xf32, #tpu.memory_space<vmem>> -> memref<4096xf32, #tpu.memory_space<vmem>>
    tpu.wait_dma2 semaphore(%arg11 : memref<!tpu.dma_semaphore, #tpu.memory_space<semaphore_mem>>) src(%dma_wait3A_375 : memref<4096xf32, #tpu.memory_space<vmem>>) dst(%dma_wait3A_372 : memref<4096xf32, #tpu.memory_space<hbm>>)
    return
  }
}

</mosaic_0001>

<sc_bundles>
// kernel: kernel.3.cloned.1.call-start
scs
__scs_entry_jumppad:
0x0: {  	(pc) =	sbr.rel $0x88, $3  }
0x1: {  	(tag) =	ssettag $0x0;
	lr =	simm.s32 $0x1  }
0x2: {  	[smem:$0x3F9F] =	sst lr;
	_ =	strace $0xD0000000  }
0x3: {  	_ = 	snop  }
0x4: {  	_ = 	snop  }
0x5: {  	_ = 	snop  }
0x6: {  	_ = 	snop  }
0x7: {  	_ = 	snop  }
__scs_overlays_trampoline_lowered:
0x8: {  	[smem:$0x3FAE] =	sst s0  }
0x9: {  	[smem:$0x3FAF] =	sst s1  }
0xa: {  	[smem:$0x3FB0] =	sst s2  }
0xb: {  	[smem:$0x3FB1] =	sst s3  }
0xc: {  	[smem:$0x3FB2] =	sst s4  }
0xd: {  	[smem:$0x3FB3] =	sst s5  }
0xe: {  	[smem:$0x3FB4] =	sst s6  }
0xf: {  	[smem:$0x3FB5] =	sst s7  }
0x10: {  	[smem:$0x3FB6] =	sst s8  }
0x11: {  	[smem:$0x3FB7] =	sst s9;
	s0 =	simm.s32 @!p0 $0x0  }
0x12: {  	s1 =	sld [smem:$0x3F9D];
	s0 =	simm.s32 @p0 $0x1  }
0x13: {  	[smem:$0x3FB8] =	sst s0;
	s0 =	simm.s32 @!p1 $0x0  }
0x14: {  	s2 =	sld [smem:$0x3F9C];
	s0 =	simm.s32 @p1 $0x1  }
0x15: {  	[smem:$0x3FB9] =	sst s0;
	s0 =	simm.s32 @!p2 $0x0  }
0x16: {  	s3 =	sld [smem:$0x3FDB];
	s0 =	simm.s32 @p2 $0x1  }
0x17: {  	s4 =	simm.s32 $0x1BF5;
	[smem:$0x3FBB] =	sst s0  }
0x18: {  	s0 =	sld [smem:$0x3F9E];
	_ =	swait.ge [sflag:s4], $0x0  }
0x19: {  	s7 =	sld [smem:$0x3F9F]  }
0x1a: {  	s8 =	sadd.s32 $0xFFFFE003, lr  }
0x1b: {  	s9 =	sadd.s32 $0xFFFFFEF7, lr;
	s5 =	simm.s32 $0xFFFFFFFF;
	p2 =	slt.u32 s8, $0xFFFFF086  }
0x1c: {  	p1 =	slt.u32 s9, $0xF7A;
	s5 =	simm.s32 @!p2 $0x0  }
0x1d: {  	s5 =	simm.s32 @p1 $0x1;
	p0 =	seq.s32 s7, s2  }
0x1e: {  	s7 =	smul.u32 @!p0 $0xF7A, s2;
	p2 =	seq.s32 @!p0 s5, $0x0  }
0x1f: {  	s9 =	smul.u32 $0xF7A, s1;
	s8 =	simm.s32 @!p0 $0x1BF5;
	p2 =	por !p2, p0  }
0x20: {  	[sflag:s8] =	ssyncset.s32 @!p0 $0xFFFFF086;
	s6 =	sadd.s32 @!p0 s3, s7;
	s7 =	simm.s32 @!p0 $0x108  }
0x21: {  	s3 =	sadd.s32 s3, s9;
	s6 =	sadd.s32 @!p0 $0x88, s6;
	s7 =	simm.s32 @p2 $0x1082  }
0x22: {  	[simem:s7], [sflag:s8] =	dma.local @!p0 [hbm:s6], $0xF7A  }
0x23: {  	s9 =	sor.u32 $0xD0000000, s2;
	s6 =	simm.s32 $0x108;
	_ =	swait.ge @!p0 [sflag:s8], $0x0  }
0x24: {  	s3 =	sadd.s32 $0x88, s3;
	s6 =	simm.s32 @!p1 $0x1082;
	[sflag:s4] =	ssyncset.s32 $0xFFFFF086  }
0x25: {  	[simem:s6], [sflag:s4] =	dma.local [hbm:s3], $0xF7A  }
0x26: {  	[smem:$0x3F9F] =	sst s1;
	(tag) =	ssettag s2;
	_ =	strace s9  }
0x27: {  	s1 =	sld [smem:$0x3FAF]  }
0x28: {  	s2 =	sld [smem:$0x3FB0]  }
0x29: {  	s4 =	sld [smem:$0x3FB2]  }
0x2a: {  	p0 =	seq.s32 s5, $0x0;
	s5 =	sld [smem:$0x3FB3]  }
0x2b: {  	s6 =	sld [smem:$0x3FB4]  }
0x2c: {  	s7 =	sld [smem:$0x3FB5]  }
0x2d: {  	s3 =	simm.s32 $0x108;
	s8 =	sld [smem:$0x3FB6]  }
0x2e: {  	s3 =	simm.s32 @!p0 $0x1082;
	s9 =	sld [smem:$0x3FB7]  }
0x2f: {  	lr =	sadd.s32 s0, s3;
	s0 =	sld [smem:$0x3FAE]  }
0x30: {  	s3 =	sld [smem:$0x3FB1]  }
0x31: {  	[smem:$0x3FBA] =	sst s10  }
0x32: {  	s10 =	sld [smem:$0x3FB8];
	_ =	sdelay $0x3  }
0x33: {  	p0 =	seq.s32 s10, $0x1;
	s10 =	sld [smem:$0x3FBA];
	_ =	sdelay $0x3  }
0x34: {  	[smem:$0x3FBA] =	sst s10  }
0x35: {  	s10 =	sld [smem:$0x3FB9];
	_ =	sdelay $0x3  }
0x36: {  	p1 =	seq.s32 s10, $0x1;
	s10 =	sld [smem:$0x3FBA];
	_ =	sdelay $0x3  }
0x37: {  	[smem:$0x3FBA] =	sst s10  }
0x38: {  	s10 =	sld [smem:$0x3FBB]  }
0x39: {  	_ = 	snop;
	(pc) =	sbr.ind lr, $3  }
0x3a: {  	_ = 	snop  }
0x3b: {  	_ = 	snop  }
0x3c: {  	p2 =	seq.s32 s10, $0x1;
	s10 =	sld [smem:$0x3FBA]  }
0x3d: {  	_ =	shalt  }
0x3e: {  	_ =	shalt  }
0x3f: {  	_ =	shalt  }
0x40: {  	_ =	shalt  }
0x41: {  	_ =	shalt  }
0x42: {  	_ =	shalt  }
0x43: {  	_ =	shalt  }
0x44: {  	_ =	shalt  }
0x45: {  	_ =	shalt  }
0x46: {  	_ =	shalt  }
0x47: {  	_ =	shalt  }
0x48: {  	_ =	shalt  }
0x49: {  	_ =	shalt  }
0x4a: {  	_ =	shalt  }
0x4b: {  	_ =	shalt  }
0x4c: {  	_ =	shalt  }
0x4d: {  	_ =	shalt  }
0x4e: {  	_ =	shalt  }
0x4f: {  	_ =	shalt  }
0x50: {  	_ =	shalt  }
0x51: {  	_ =	shalt  }
0x52: {  	_ =	shalt  }
0x53: {  	_ =	shalt  }
0x54: {  	_ =	shalt  }
0x55: {  	_ =	shalt  }
0x56: {  	_ =	shalt  }
0x57: {  	_ =	shalt  }
0x58: {  	_ =	shalt  }
0x59: {  	_ =	shalt  }
0x5a: {  	_ =	shalt  }
0x5b: {  	_ =	shalt  }
0x5c: {  	_ =	shalt  }
0x5d: {  	_ =	shalt  }
0x5e: {  	_ =	shalt  }
0x5f: {  	_ =	shalt  }
0x60: {  	_ =	shalt  }
0x61: {  	_ =	shalt  }
0x62: {  	_ =	shalt  }
0x63: {  	_ =	shalt  }
0x64: {  	_ =	shalt  }
0x65: {  	_ =	shalt  }
0x66: {  	_ =	shalt  }
0x67: {  	_ =	shalt  }
0x68: {  	_ =	shalt  }
0x69: {  	_ =	shalt  }
0x6a: {  	_ =	shalt  }
0x6b: {  	_ =	shalt  }
0x6c: {  	_ =	shalt  }
0x6d: {  	_ =	shalt  }
0x6e: {  	_ =	shalt  }
0x6f: {  	_ =	shalt  }
0x70: {  	_ =	shalt  }
0x71: {  	_ =	shalt  }
0x72: {  	_ =	shalt  }
0x73: {  	_ =	shalt  }
0x74: {  	_ =	shalt  }
0x75: {  	_ =	shalt  }
0x76: {  	_ =	shalt  }
0x77: {  	_ =	shalt  }
0x78: {  	_ =	shalt  }
0x79: {  	_ =	shalt  }
0x7a: {  	_ =	shalt  }
0x7b: {  	_ =	shalt  }
0x7c: {  	_ =	shalt  }
0x7d: {  	_ =	shalt  }
0x7e: {  	_ =	shalt  }
0x7f: {  	_ =	shalt  }
0x80: {  	_ =	shalt  }
0x81: {  	_ =	shalt  }
0x82: {  	_ =	shalt  }
0x83: {  	_ =	shalt  }
0x84: {  	_ =	shalt  }
0x85: {  	_ =	shalt  }
0x86: {  	_ =	shalt  }
0x87: {  	_ =	shalt  }
.Lfunc_end0:
.L_simem_size_0:
called_computation_lowered:
.L_overlay_start_0:
0x88: {  	s2 =	sld [smem:$0x3FD9]  }
0x89: {  	s3 =	sld [smem:$0x3FFE];
	_ =	sdelay $0x1  }
0x8a: {  	s1 =	srdreg.scid  }
0x8b: {  	s0 =	sand.u32 $0x1, s1  }
0x8c: {  	s18 =	sshll.u32 s0, $0xA;
	s2 =	sadd.s32 s3, s2  }
0x8d: {  	s2 =	sadd.s32 s2, s18  }
0x8e: {  	[smem:$0x3FC6] =	sst s2  }
0x8f: {  	_ = 	snop  }
0x90: {  	s2 =	sld [smem:$0x3FC9]  }
0x91: {  	s19 =	sld [smem:$0x3FC8]  }
0x92: {  	s4 =	sld [smem:$0x3FD0];
	(tm) =	ssettm $0x1  }
0x93: {  	s5 =	sld [smem:$0x3FFB];
	_ =	sdelay $0x3  }
0x94: {  	_ =	strace s5  }
0x95: {  	s5 =	sld [smem:$0x3FFC];
	_ =	sdelay $0x3  }
0x96: {  	_ =	strace s5  }
0x97: {  	s5 =	sld [smem:$0x3FFD];
	_ =	sdelay $0x3  }
0x98: {  	_ =	strace s5  }
0x99: {  	_ =	strace $0x8FFFFFFF  }
0x9a: {  	s20 =	sld [smem:$0x3FDB];
	_ =	sdelay $0x1  }
0x9b: {  	s6 =	simm.s32 $_scs_section_size  }
0x9c: {  	s7 =	simm.s32 $_size__tile_overlayer_lowered;
	s8 =	simm.s32 $_tile_overlayer_lowered  }
0x9d: {  	s23 =	simm.s32 $0x1BFF;
	s22 =	sshll.u32 s8, $0x1;
	s5 =	sadd.s32 s6, s20  }
0x9e: {  	s9 =	simm.s32 $0x0;
	s21 =	sshll.u32 s7, $0x1;
	s7 =	sadd.s32 s22, s5  }
0x9f: {  	[timem:s9], [sflag:s23] =	dma.local [hbm:s7], s21  }
0xa0: {  	_ =	swait.ge [sflag:s23], s21  }
0xa1: {  	s6 =	ssub.s32 $0x0, s21;
	[sflag:s23] =	ssyncset.done $0x0  }
0xa2: {  	[sflag:s23] =	ssyncadd.s32 s6;
	_ =	sdelay $0x1  }
0xa3: {  	s24 =	simm.s32 $0x1B8B  }
0xa4: {  	_ =	swait.ge [sflag:s24], $0x1  }
0xa5: {  	[sflag:s24] =	ssyncset.done $0x0  }
0xa6: {  	s25 =	simm.s32 $0x1B8E;
	[sflag:s24] =	ssyncadd.s32 $0xFFFFFFFF  }
0xa7: {  	s26 =	simm.s32 $execute0_lowered;
	[smem:$0x3FD2] =	sst s25  }
0xa8: {  	s6 =	sshll.u32 s26, $0x1;
	_ =	strace $0x80000046;
	[dreg:$0x1] =	wrdreg $0xFFFFFFFF  }
0xa9: {  	s28 =	simm.s32 $_size_execute0_lowered;
	s5 =	sadd.s32 s5, s6;
	[dreg:$0x0] =	wrdreg $0x0  }
0xaa: {  	s6 =	sshll.u32 s28, $0x1;
	[dreg:$0x2] =	wrdreg s5  }
0xab: {  	[dreg:$0x3] =	wrdreg s6  }
0xac: {  	[dreg:$0x4] =	wrdreg $0xC0  }
0xad: {  	_ =	task [dreg:s9], $0x5FFFF  }
0xae: {  	[dreg:$0x1] =	wrdreg $0xFFFFFFFF  }
0xaf: {  	[dreg:$0x0] =	wrdreg $0x60  }
0xb0: {  	[dreg:$0x2] =	wrdreg s2  }
0xb1: {  	[dreg:$0x3] =	wrdreg s19  }
0xb2: {  	[dreg:$0x4] =	wrdreg s4  }
0xb3: {  	[dreg:$0x5] =	wrdreg $0x9  }
0xb4: {  	_ =	task.clear_ibuf [dreg:s9], $0x6FFFF;
	_ =	strace $0x90000046  }
0xb5: {  	s29 =	simm.s32 $0x9;
	_ =	strace $0x80000048  }
0xb6: {  	_ =	swait.ge [sflag:s29], $0x1  }
0xb7: {  	[sflag:s29] =	ssyncadd.s32 $0xFFFFFFFF  }
0xb8: {  	_ =	strace $0x90000048  }
0xb9: {  	_ =	sfence  }
0xba: {  	s30 =	sld [smem:$0x0];
	_ =	sdelay $0x2  }
0xbb: {  	s31 =	sshll.u32 s1, $0xD;
	s1 =	sshrl.u32 s1, $0x2  }
0xbc: {  	s3 =	sand.u32 $0x4000, s31;
	s1 =	sadd.s32 s1, s30  }
0xbd: {  	s0 =	sor.u32 s3, s0;
	s1 =	sshll.u32 s1, $0x11  }
0xbe: {  	s0 =	sor.u32 s1, s0  }
0xbf: {  	s0 =	sadd.s32 $0x8F2B, s0  }
0xc0: {  	[sflag:s0] =	ssyncadd.remote.s32 $0x1  }
0xc1: {  	_ =	sfence.sel $0xFFFF  }
0xc2: {  	[dreg:$0x0] =	wrdreg $0xFFFFFFFF;
	(pc) =	sbr.abs _section_cstart, $3  }
0xc3: {  	[dreg:$0x1] =	wrdreg $0xFFFFFFFF  }
0xc4: {  	_ =	task.clear_ibuf [dreg:s9], $0x2FFFF;
	_ =	strace $0x9FFFFFFF  }
0xc5: {  	(tm) =	ssettm $0x7FFFFFFF  }
tec
execute0_lowered:
.L_overlay_start_1:
0x0: {  	(tag) =	ssettag $0x1  }
0x1: {  	s1 =	rddreg [dreg:$0x0]  }
0x2: {  	s12 =	rddreg [dreg:$0x1]  }
0x3: {  	s13 =	rddreg [dreg:$0x2]  }
0x4: {  	s0 =	rddreg [dreg:$0x3]  }
0x5: {  	s3 =	simm.s32 $0x0;
	s4 =	srdreg.scid;
	s2 =	stileid.u32  }
0x6: {  	s22 =	simm.s32 $0x1;
	s23 =	simm.s32 $0x0;
	s4 =	sand.u32 $0x1, s4  }
0x7: {  	s5 =	sshll.u32 s2, $0x9;
	s6 =	sshrl.u32 s2, $0x1;
	[smem:$0x7FF] =	sst s3  }
0x8: {  	s18 =	sadd.s32 $0x1000, s13;
	s19 =	sadd.s32 $0x2000, s13;
	s20 =	sadd.s32 $0x3000, s13  }
0x9: {  	s7 =	sshll.u32 s4, $0x8;
	s5 =	sand.u32 $0x200, s5;
	s11 =	smul.u32 $0xC3800, s6  }
0xa: {  	s4 =	ssub.s32 $0x2, s4;
	_ =	strace $0x80000047;
	s15 =	sshll.u32 s6, $0x11  }
0xb: {  	s6 =	sadd.s32 $0x400, s1;
	s14 =	sor.u32 s7, s5;
	s28 =	sshrl.u32 s4, $0x1  }
0xc: {  	s7 =	sor.u32 s11, s14;
	s17 =	ssub.s32 s4, s28;
	s4 =	sadd.s32 $0x200, s1  }
0xd: {  	s8 =	sor.u32 s15, s14;
	s14 =	sor.u32 $0x80, s14;
	s29 =	sshrl.u32 s7, $0x3  }
0xe: {  	s7 =	sadd.s32 $0x600, s1;
	s16 =	sshrl.u32 s8, $0x3;
	s21 =	sor.u32 s11, s14  }
0xf: {  	s14 =	sor.u32 s15, s14;
	s17 =	smax.u32 s17, $0x1;
	s5 =	sadd.s32 s12, s29  }
0x10: {  	s8 =	sadd.s32 s13, s16;
	s9 =	sadd.s32 s16, s18;
	s10 =	sadd.s32 s16, s19  }
0x11: {  	s11 =	sadd.s32 s16, s20;
	s30 =	sshrl.u32 s21, $0x3;
	s31 =	sshrl.u32 s14, $0x3  }
0x12: {  	s21 =	simm.s32 $0x3;
	s12 =	sadd.s32 s12, s30;
	s13 =	sadd.s32 s13, s31  }
0x13: {  	s14 =	sadd.s32 s31, s18;
	s15 =	sadd.s32 s31, s19;
	s16 =	sadd.s32 s31, s20  }
0x14: {  	s18 =	simm.s32 $0x80;
	s19 =	simm.s32 $0x400;
	s20 =	simm.s32 $0x2  }
.LBB2_1:
0x15: {  	s24 =	simm.s32 $0x1C700  }
0x16: {  	s25 =	simm.s32 $0x10;
	s28 =	sadd.s32 $0x0, s1;
	s26 =	simm.s32 $0x1C800  }
.LBB2_2:
0x17: {  	[tilespmem:s24], [sflag:$0x2] =	stream.linear.gather [hbm4b:s28+s3], $0x80, $0x38;
	[tilespmem:$0x1E700] =	vst v63  }
0x18: {  	s28 =	smov.u32 s25;
	s24 =	smov.u32 s26;
	p0 =	sne.s32 s25, $0x1F0  }
.Ltmp0:
0x19: {  	s25 =	sadd.s32 $0x10, s25;
	(pc) =	sbr.rel @p0 .LBB2_2-.Ltmp0, $2  }
0x1a: {  	_ =	sdelay $0x2  }
0x1b: {  	s26 =	sadd.s32 $0x100, s26;
	s28 =	sadd.s32 s28, s1  }
0x1c: {  	[tilespmem:s24], [sflag:$0x2] =	stream.linear.gather [hbm4b:s28+s3], $0x80, $0x38;
	[tilespmem:$0x1E700] =	vst v63  }
0x1d: {  	s24 =	simm.s32 $0x1C780  }
0x1e: {  	s25 =	simm.s32 $0x10;
	s28 =	sadd.s32 $0x0, s4;
	s26 =	simm.s32 $0x1C880  }
.LBB2_4:
0x1f: {  	[tilespmem:s24], [sflag:$0x3] =	stream.linear.gather [hbm4b:s28+s3], $0x80, $0x38;
	[tilespmem:$0x1E700] =	vst v63  }
0x20: {  	s28 =	smov.u32 s25;
	s24 =	smov.u32 s26;
	p0 =	sne.s32 s25, $0x1F0  }
.Ltmp1:
0x21: {  	s25 =	sadd.s32 $0x10, s25;
	(pc) =	sbr.rel @p0 .LBB2_4-.Ltmp1, $2  }
0x22: {  	_ =	sdelay $0x2  }
0x23: {  	s26 =	sadd.s32 $0x100, s26;
	s28 =	sadd.s32 s28, s4  }
0x24: {  	[tilespmem:s24], [sflag:$0x3] =	stream.linear.gather [hbm4b:s28+s3], $0x80, $0x38;
	[tilespmem:$0x1E700] =	vst v63  }
0x25: {  	_ = 	snop  }
0x26: {  	[tilespmem:s3], [sflag:$0x1] =	stream.strided.gather [hbm4b:s5+s18], $0x18700, s19, s18, $0x38;
	[tilespmem:$0x1E700] =	vst v63  }
0x27: {  	_ =	swait.ge [sflag:s20], $0x1000  }
0x28: {  	[sflag:s20] =	ssyncset.done $0x0  }
0x29: {  	s31 =	simm.s32 $0x1C740;
	[sflag:s20] =	ssyncadd.s32 $0xFFFFF000  }
0x2a: {  	v0 =	vld [tilespmem:s31+$0xFFFFFFD0]  }
0x2b: {  	v1 =	vld [tilespmem:s31+$0x0]  }
0x2c: {  	v2 =	vld [tilespmem:s31+$0x10]  }
0x2d: {  	v3 =	vld [tilespmem:s31+$0x30]  }
0x2e: {  	v4 =	vld [tilespmem:s31+$0x20]  }
0x2f: {  	v7 =	vld [tilespmem:s31+$0xFFFFFFE0]  }
0x30: {  	v6 =	vld [tilespmem:s31+$0xFFFFFFF0];
	v0 =	vmul.f32 $1.000000000e+05, v0  }
0x31: {  	v5 =	vld [tilespmem:s31+$0xFFFFFFC0]  }
0x32: {  	v2 =	vmul.f32 $1.000000000e+05, v2;
	v0 =	vmax.f32 v0, $0.0e+00  }
0x33: {  	v1 =	vmul.f32 $1.000000000e+05, v1;
	v10 =	vmul.f32 $1.000000000e+05, v3;
	v0 =	vmin.f32 v0, $9.999900000e+04  }
0x34: {  	v3 =	vmul.f32 $1.000000000e+05, v7;
	v9 =	vmax.f32 v2, $0.0e+00;
	v0 =	vtrunc.f32 v0  }
0x35: {  	v2 =	vmul.f32 $1.000000000e+05, v6;
	v6 =	vmax.f32 v1, $0.0e+00;
	v8 =	vcvt.f32.s32 v0  }
0x36: {  	s25 =	simm.s32 $0x18740;
	v1 =	vmul.f32 $1.000000000e+05, v5;
	v0 =	vmul.f32 $1.000000000e+05, v4;
	v4 =	vmin.f32 v6, $9.999900000e+04  }
0x37: {  	s26 =	simm.s32 $0x0;
	s28 =	simm.s32 $0x1C840;
	s24 =	simm.s32 $0x18740;
	v6 =	vmin.f32 v9, $9.999900000e+04;
	v5 =	vtrunc.f32 v4;
	v4 =	vmax.f32 v10, $0.0e+00;
	[tilespmem:s25+$0xFFFFFFD0] =	vst v8  }
.LBB2_6:
0x38: {  	v7 =	vld [tilespmem:s28+$0xFFFFFFD0];
	s26 =	sadd.s32 $0x8, s26;
	v2 =	vmax.f32 v2, $0.0e+00;
	v5 =	vcvt.f32.s32 v5;
	v6 =	vtrunc.f32 v6;
	s25 =	sadd.s32 $0x80, s25  }
0x39: {  	v1 =	vmax.f32 v1, $0.0e+00;
	v3 =	vmax.f32 v3, $0.0e+00;
	v8 =	vld [tilespmem:s28+$0x0];
	p0 =	slt.u32 s26, $0xF8;
	v2 =	vmin.f32 v2, $9.999900000e+04  }
0x3a: {  	v4 =	vmin.f32 v4, $9.999900000e+04;
	v1 =	vmin.f32 v1, $9.999900000e+04;
	v9 =	vld [tilespmem:s28+$0x10];
	v2 =	vtrunc.f32 v2;
	[tilespmem:s24+$0x0] =	vst v5  }
0x3b: {  	v0 =	vmax.f32 v0, $0.0e+00;
	v4 =	vtrunc.f32 v4;
	v5 =	vld [tilespmem:s28+$0x30];
	v2 =	vcvt.f32.s32 v2  }
0x3c: {  	v3 =	vmin.f32 v3, $9.999900000e+04;
	v6 =	vcvt.f32.s32 v6;
	v4 =	vcvt.f32.s32 v4;
	v10 =	vld [tilespmem:s28+$0x20]  }
0x3d: {  	v0 =	vmin.f32 v0, $9.999900000e+04;
	v1 =	vtrunc.f32 v1;
	v11 =	vld [tilespmem:s28+$0xFFFFFFC0];
	v7 =	vmul.f32 $1.000000000e+05, v7  }
0x3e: {  	v0 =	vtrunc.f32 v0;
	v1 =	vcvt.f32.s32 v1;
	v12 =	vld [tilespmem:s28+$0xFFFFFFF0];
	[tilespmem:s24+$0xFFFFFFF0] =	vst v2  }
0x3f: {  	v0 =	vcvt.f32.s32 v0;
	v8 =	vmul.f32 $1.000000000e+05, v8;
	v2 =	vmax.f32 v7, $0.0e+00;
	v7 =	vld [tilespmem:s28+$0xFFFFFFE0];
	[tilespmem:s24+$0x10] =	vst v6  }
0x40: {  	v6 =	vmul.f32 $1.000000000e+05, v9;
	v2 =	vmin.f32 v2, $9.999900000e+04;
	[tilespmem:s24+$0xFFFFFFC0] =	vst v1;
	v1 =	vtrunc.f32 v3  }
.Ltmp2:
0x41: {  	v2 =	vtrunc.f32 v2;
	v1 =	vcvt.f32.s32 v1;
	[tilespmem:s24+$0x30] =	vst v4;
	(pc) =	sbr.rel @p0 .LBB2_6-.Ltmp2, $4  }
0x42: {  	v9 =	vmul.f32 $1.000000000e+05, v5;
	v4 =	vmax.f32 v6, $0.0e+00;
	v3 =	vcvt.f32.s32 v2;
	[tilespmem:s24+$0x20] =	vst v0  }
0x43: {  	v5 =	vmax.f32 v8, $0.0e+00;
	v0 =	vmul.f32 $1.000000000e+05, v10;
	v2 =	vmul.f32 $1.000000000e+05, v12;
	[tilespmem:s24+$0xFFFFFFE0] =	vst v1;
	s24 =	smov.u32 s25  }
0x44: {  	v5 =	vmin.f32 v5, $9.999900000e+04;
	v1 =	vmul.f32 $1.000000000e+05, v11;
	[tilespmem:s25+$0xFFFFFFD0] =	vst v3;
	v3 =	vmul.f32 $1.000000000e+05, v7  }
0x45: {  	s28 =	sadd.s32 $0x100, s28;
	v5 =	vtrunc.f32 v5;
	v6 =	vmin.f32 v4, $9.999900000e+04;
	v4 =	vmax.f32 v9, $0.0e+00  }
0x46: {  	v2 =	vmax.f32 v2, $0.0e+00  }
0x47: {  	v5 =	vcvt.f32.s32 v5;
	v6 =	vtrunc.f32 v6;
	v1 =	vmax.f32 v1, $0.0e+00  }
0x48: {  	v3 =	vmax.f32 v3, $0.0e+00;
	v4 =	vmin.f32 v4, $9.999900000e+04;
	v0 =	vmax.f32 v0, $0.0e+00  }
0x49: {  	v2 =	vmin.f32 v2, $9.999900000e+04;
	v60 =	vcvt.f32.s32 v6;
	v4 =	vtrunc.f32 v4  }
0x4a: {  	v1 =	vmin.f32 v1, $9.999900000e+04;
	v2 =	vtrunc.f32 v2;
	[tilespmem:s24+$0x0] =	vst v5;
	v62 =	vcvt.f32.s32 v4  }
0x4b: {  	v0 =	vmin.f32 v0, $9.999900000e+04;
	v1 =	vtrunc.f32 v1;
	v2 =	vcvt.f32.s32 v2;
	[tilespmem:s24+$0x10] =	vst v60  }
0x4c: {  	v61 =	vmin.f32 v3, $9.999900000e+04;
	v0 =	vtrunc.f32 v0;
	v1 =	vcvt.f32.s32 v1;
	[tilespmem:s24+$0x30] =	vst v62  }
0x4d: {  	v63 =	vtrunc.f32 v61;
	v0 =	vcvt.f32.s32 v0;
	[tilespmem:s24+$0xFFFFFFF0] =	vst v2  }
0x4e: {  	[tilespmem:s24+$0xFFFFFFC0] =	vst v1;
	v1 =	vcvt.f32.s32 v63  }
0x4f: {  	s25 =	simm.s32 $0x1C700;
	[tilespmem:s24+$0x20] =	vst v0  }
0x50: {  	s28 =	sadd.s32 $0x0, s6;
	s26 =	simm.s32 $0x1C800;
	[tilespmem:s24+$0xFFFFFFE0] =	vst v1;
	s24 =	simm.s32 $0x10  }
.LBB2_8:
0x51: {  	[tilespmem:s25], [sflag:$0x2] =	stream.linear.gather [hbm4b:s28+s3], $0x80, $0x38;
	[tilespmem:$0x1E700] =	vst v63  }
0x52: {  	s28 =	smov.u32 s24;
	s25 =	smov.u32 s26;
	p0 =	sne.s32 s24, $0x1F0  }
.Ltmp3:
0x53: {  	s24 =	sadd.s32 $0x10, s24;
	(pc) =	sbr.rel @p0 .LBB2_8-.Ltmp3, $2  }
0x54: {  	_ =	sdelay $0x2  }
0x55: {  	s26 =	sadd.s32 $0x100, s26;
	s28 =	sadd.s32 s28, s6  }
0x56: {  	[tilespmem:s25], [sflag:$0x2] =	stream.linear.gather [hbm4b:s28+s3], $0x80, $0x38;
	[tilespmem:$0x1E700] =	vst v63  }
0x57: {  	_ =	swait.ge [sflag:s21], $0x1000  }
0x58: {  	[sflag:s21] =	ssyncset.done $0x0  }
0x59: {  	s24 =	simm.s32 $0x1C7F0;
	[sflag:s21] =	ssyncadd.s32 $0xFFFFF000  }
0x5a: {  	v0 =	vld [tilespmem:s24+$0xFFFFFFA0]  }
0x5b: {  	v1 =	vld [tilespmem:s24+$0xFFFFFFD0]  }
0x5c: {  	v2 =	vld [tilespmem:s24+$0xFFFFFFE0]  }
0x5d: {  	v3 =	vld [tilespmem:s24+$0x0]  }
0x5e: {  	v4 =	vld [tilespmem:s24+$0xFFFFFFF0]  }
0x5f: {  	v7 =	vld [tilespmem:s24+$0xFFFFFFB0]  }
0x60: {  	v6 =	vld [tilespmem:s24+$0xFFFFFFC0];
	v0 =	vmul.f32 $1.000000000e+05, v0  }
0x61: {  	v5 =	vld [tilespmem:s24+$0xFFFFFF90]  }
0x62: {  	v2 =	vmul.f32 $1.000000000e+05, v2;
	v0 =	vmax.f32 v0, $0.0e+00  }
0x63: {  	v1 =	vmul.f32 $1.000000000e+05, v1;
	v10 =	vmul.f32 $1.000000000e+05, v3;
	v0 =	vmin.f32 v0, $9.999900000e+04  }
0x64: {  	v3 =	vmul.f32 $1.000000000e+05, v7;
	v9 =	vmax.f32 v2, $0.0e+00;
	v0 =	vtrunc.f32 v0  }
0x65: {  	v2 =	vmul.f32 $1.000000000e+05, v6;
	v6 =	vmax.f32 v1, $0.0e+00;
	v8 =	vcvt.f32.s32 v0  }
0x66: {  	s25 =	simm.s32 $0x19770;
	v1 =	vmul.f32 $1.000000000e+05, v5;
	v0 =	vmul.f32 $1.000000000e+05, v4;
	v4 =	vmin.f32 v6, $9.999900000e+04  }
0x67: {  	s26 =	simm.s32 $0x0;
	s28 =	simm.s32 $0x1C8F0;
	s24 =	simm.s32 $0x19770;
	v6 =	vmin.f32 v9, $9.999900000e+04;
	v5 =	vtrunc.f32 v4;
	v4 =	vmax.f32 v10, $0.0e+00;
	[tilespmem:s25+$0xFFFFFFA0] =	vst v8  }
.LBB2_10:
0x68: {  	v7 =	vld [tilespmem:s28+$0xFFFFFFA0];
	s26 =	sadd.s32 $0x8, s26;
	v2 =	vmax.f32 v2, $0.0e+00;
	v5 =	vcvt.f32.s32 v5;
	v6 =	vtrunc.f32 v6;
	s25 =	sadd.s32 $0x80, s25  }
0x69: {  	v1 =	vmax.f32 v1, $0.0e+00;
	v3 =	vmax.f32 v3, $0.0e+00;
	v8 =	vld [tilespmem:s28+$0xFFFFFFD0];
	p0 =	slt.u32 s26, $0xF8;
	v2 =	vmin.f32 v2, $9.999900000e+04  }
0x6a: {  	v4 =	vmin.f32 v4, $9.999900000e+04;
	v1 =	vmin.f32 v1, $9.999900000e+04;
	v9 =	vld [tilespmem:s28+$0xFFFFFFE0];
	v2 =	vtrunc.f32 v2;
	[tilespmem:s24+$0xFFFFFFD0] =	vst v5  }
0x6b: {  	v0 =	vmax.f32 v0, $0.0e+00;
	v4 =	vtrunc.f32 v4;
	v5 =	vld [tilespmem:s28+$0x0];
	v2 =	vcvt.f32.s32 v2  }
0x6c: {  	v3 =	vmin.f32 v3, $9.999900000e+04;
	v6 =	vcvt.f32.s32 v6;
	v4 =	vcvt.f32.s32 v4;
	v10 =	vld [tilespmem:s28+$0xFFFFFFF0]  }
0x6d: {  	v0 =	vmin.f32 v0, $9.999900000e+04;
	v1 =	vtrunc.f32 v1;
	v11 =	vld [tilespmem:s28+$0xFFFFFF90];
	v7 =	vmul.f32 $1.000000000e+05, v7  }
0x6e: {  	v0 =	vtrunc.f32 v0;
	v1 =	vcvt.f32.s32 v1;
	v12 =	vld [tilespmem:s28+$0xFFFFFFC0];
	[tilespmem:s24+$0xFFFFFFC0] =	vst v2  }
0x6f: {  	v0 =	vcvt.f32.s32 v0;
	v8 =	vmul.f32 $1.000000000e+05, v8;
	v2 =	vmax.f32 v7, $0.0e+00;
	v7 =	vld [tilespmem:s28+$0xFFFFFFB0];
	[tilespmem:s24+$0xFFFFFFE0] =	vst v6  }
0x70: {  	v6 =	vmul.f32 $1.000000000e+05, v9;
	v2 =	vmin.f32 v2, $9.999900000e+04;
	[tilespmem:s24+$0xFFFFFF90] =	vst v1;
	v1 =	vtrunc.f32 v3  }
.Ltmp4:
0x71: {  	v2 =	vtrunc.f32 v2;
	v1 =	vcvt.f32.s32 v1;
	[tilespmem:s24+$0x0] =	vst v4;
	(pc) =	sbr.rel @p0 .LBB2_10-.Ltmp4, $4  }
0x72: {  	v9 =	vmul.f32 $1.000000000e+05, v5;
	v4 =	vmax.f32 v6, $0.0e+00;
	v3 =	vcvt.f32.s32 v2;
	[tilespmem:s24+$0xFFFFFFF0] =	vst v0  }
0x73: {  	v5 =	vmax.f32 v8, $0.0e+00;
	v0 =	vmul.f32 $1.000000000e+05, v10;
	v2 =	vmul.f32 $1.000000000e+05, v12;
	[tilespmem:s24+$0xFFFFFFB0] =	vst v1;
	s24 =	smov.u32 s25  }
0x74: {  	v5 =	vmin.f32 v5, $9.999900000e+04;
	v1 =	vmul.f32 $1.000000000e+05, v11;
	[tilespmem:s25+$0xFFFFFFA0] =	vst v3;
	v3 =	vmul.f32 $1.000000000e+05, v7  }
0x75: {  	s28 =	sadd.s32 $0x100, s28;
	v5 =	vtrunc.f32 v5;
	v6 =	vmin.f32 v4, $9.999900000e+04;
	v4 =	vmax.f32 v9, $0.0e+00  }
0x76: {  	v2 =	vmax.f32 v2, $0.0e+00  }
0x77: {  	v5 =	vcvt.f32.s32 v5;
	v6 =	vtrunc.f32 v6;
	v1 =	vmax.f32 v1, $0.0e+00  }
0x78: {  	v3 =	vmax.f32 v3, $0.0e+00;
	v4 =	vmin.f32 v4, $9.999900000e+04;
	v0 =	vmax.f32 v0, $0.0e+00  }
0x79: {  	v2 =	vmin.f32 v2, $9.999900000e+04;
	v60 =	vcvt.f32.s32 v6;
	v4 =	vtrunc.f32 v4  }
0x7a: {  	v1 =	vmin.f32 v1, $9.999900000e+04;
	v2 =	vtrunc.f32 v2;
	[tilespmem:s24+$0xFFFFFFD0] =	vst v5;
	v62 =	vcvt.f32.s32 v4  }
0x7b: {  	v0 =	vmin.f32 v0, $9.999900000e+04;
	v1 =	vtrunc.f32 v1;
	v2 =	vcvt.f32.s32 v2;
	[tilespmem:s24+$0xFFFFFFE0] =	vst v60  }
0x7c: {  	v61 =	vmin.f32 v3, $9.999900000e+04;
	v0 =	vtrunc.f32 v0;
	v1 =	vcvt.f32.s32 v1;
	[tilespmem:s24+$0x0] =	vst v62  }
0x7d: {  	v63 =	vtrunc.f32 v61;
	v0 =	vcvt.f32.s32 v0;
	[tilespmem:s24+$0xFFFFFFC0] =	vst v2  }
0x7e: {  	[tilespmem:s24+$0xFFFFFF90] =	vst v1;
	v1 =	vcvt.f32.s32 v63  }
0x7f: {  	s25 =	simm.s32 $0x1C780;
	[tilespmem:s24+$0xFFFFFFF0] =	vst v0  }
0x80: {  	s28 =	sadd.s32 $0x0, s7;
	s26 =	simm.s32 $0x1C880;
	[tilespmem:s24+$0xFFFFFFB0] =	vst v1;
	s24 =	simm.s32 $0x10  }
.LBB2_12:
0x81: {  	[tilespmem:s25], [sflag:$0x3] =	stream.linear.gather [hbm4b:s28+s3], $0x80, $0x38;
	[tilespmem:$0x1E700] =	vst v63  }
0x82: {  	s28 =	smov.u32 s24;
	s25 =	smov.u32 s26;
	p0 =	sne.s32 s24, $0x1F0  }
.Ltmp5:
0x83: {  	s24 =	sadd.s32 $0x10, s24;
	(pc) =	sbr.rel @p0 .LBB2_12-.Ltmp5, $2  }
0x84: {  	_ =	sdelay $0x2  }
0x85: {  	s26 =	sadd.s32 $0x100, s26;
	s28 =	sadd.s32 s28, s7  }
0x86: {  	[tilespmem:s25], [sflag:$0x3] =	stream.linear.gather [hbm4b:s28+s3], $0x80, $0x38;
	[tilespmem:$0x1E700] =	vst v63  }
0x87: {  	_ =	swait.ge [sflag:s20], $0x1000  }
0x88: {  	[sflag:s20] =	ssyncset.done $0x0  }
0x89: {  	s24 =	simm.s32 $0x1C740;
	[sflag:s20] =	ssyncadd.s32 $0xFFFFF000  }
0x8a: {  	v0 =	vld [tilespmem:s24+$0xFFFFFFD0]  }
0x8b: {  	v1 =	vld [tilespmem:s24+$0x0]  }
0x8c: {  	v2 =	vld [tilespmem:s24+$0x10]  }
0x8d: {  	v3 =	vld [tilespmem:s24+$0x30]  }
0x8e: {  	v4 =	vld [tilespmem:s24+$0x20]  }
0x8f: {  	v7 =	vld [tilespmem:s24+$0xFFFFFFE0]  }
0x90: {  	v6 =	vld [tilespmem:s24+$0xFFFFFFF0];
	v0 =	vmul.f32 $1.000000000e+05, v0  }
0x91: {  	v5 =	vld [tilespmem:s24+$0xFFFFFFC0]  }
0x92: {  	v2 =	vmul.f32 $1.000000000e+05, v2;
	v0 =	vmax.f32 v0, $0.0e+00  }
0x93: {  	v1 =	vmul.f32 $1.000000000e+05, v1;
	v10 =	vmul.f32 $1.000000000e+05, v3;
	v0 =	vmin.f32 v0, $9.999900000e+04  }
0x94: {  	v3 =	vmul.f32 $1.000000000e+05, v7;
	v9 =	vmax.f32 v2, $0.0e+00;
	v0 =	vtrunc.f32 v0  }
0x95: {  	v2 =	vmul.f32 $1.000000000e+05, v6;
	v6 =	vmax.f32 v1, $0.0e+00;
	v8 =	vcvt.f32.s32 v0  }
0x96: {  	s25 =	simm.s32 $0x1A770;
	v1 =	vmul.f32 $1.000000000e+05, v5;
	v0 =	vmul.f32 $1.000000000e+05, v4;
	v4 =	vmin.f32 v6, $9.999900000e+04  }
0x97: {  	s26 =	simm.s32 $0x0;
	s28 =	simm.s32 $0x1C840;
	s24 =	simm.s32 $0x1A770;
	v6 =	vmin.f32 v9, $9.999900000e+04;
	v5 =	vtrunc.f32 v4;
	v4 =	vmax.f32 v10, $0.0e+00;
	[tilespmem:s25+$0xFFFFFFA0] =	vst v8  }
.LBB2_14:
0x98: {  	v7 =	vld [tilespmem:s28+$0xFFFFFFD0];
	s26 =	sadd.s32 $0x8, s26;
	v2 =	vmax.f32 v2, $0.0e+00;
	v5 =	vcvt.f32.s32 v5;
	v6 =	vtrunc.f32 v6;
	s25 =	sadd.s32 $0x80, s25  }
0x99: {  	v1 =	vmax.f32 v1, $0.0e+00;
	v3 =	vmax.f32 v3, $0.0e+00;
	v8 =	vld [tilespmem:s28+$0x0];
	p0 =	slt.u32 s26, $0xF8;
	v2 =	vmin.f32 v2, $9.999900000e+04  }
0x9a: {  	v4 =	vmin.f32 v4, $9.999900000e+04;
	v1 =	vmin.f32 v1, $9.999900000e+04;
	v9 =	vld [tilespmem:s28+$0x10];
	v2 =	vtrunc.f32 v2;
	[tilespmem:s24+$0xFFFFFFD0] =	vst v5  }
0x9b: {  	v0 =	vmax.f32 v0, $0.0e+00;
	v4 =	vtrunc.f32 v4;
	v5 =	vld [tilespmem:s28+$0x30];
	v2 =	vcvt.f32.s32 v2  }
0x9c: {  	v3 =	vmin.f32 v3, $9.999900000e+04;
	v6 =	vcvt.f32.s32 v6;
	v4 =	vcvt.f32.s32 v4;
	v10 =	vld [tilespmem:s28+$0x20]  }
0x9d: {  	v0 =	vmin.f32 v0, $9.999900000e+04;
	v1 =	vtrunc.f32 v1;
	v11 =	vld [tilespmem:s28+$0xFFFFFFC0];
	v7 =	vmul.f32 $1.000000000e+05, v7  }
0x9e: {  	v0 =	vtrunc.f32 v0;
	v1 =	vcvt.f32.s32 v1;
	v12 =	vld [tilespmem:s28+$0xFFFFFFF0];
	[tilespmem:s24+$0xFFFFFFC0] =	vst v2  }
0x9f: {  	v0 =	vcvt.f32.s32 v0;
	v8 =	vmul.f32 $1.000000000e+05, v8;
	v2 =	vmax.f32 v7, $0.0e+00;
	v7 =	vld [tilespmem:s28+$0xFFFFFFE0];
	[tilespmem:s24+$0xFFFFFFE0] =	vst v6  }
0xa0: {  	v6 =	vmul.f32 $1.000000000e+05, v9;
	v2 =	vmin.f32 v2, $9.999900000e+04;
	[tilespmem:s24+$0xFFFFFF90] =	vst v1;
	v1 =	vtrunc.f32 v3  }
.Ltmp6:
0xa1: {  	v2 =	vtrunc.f32 v2;
	v1 =	vcvt.f32.s32 v1;
	[tilespmem:s24+$0x0] =	vst v4;
	(pc) =	sbr.rel @p0 .LBB2_14-.Ltmp6, $4  }
0xa2: {  	v9 =	vmul.f32 $1.000000000e+05, v5;
	v4 =	vmax.f32 v6, $0.0e+00;
	v3 =	vcvt.f32.s32 v2;
	[tilespmem:s24+$0xFFFFFFF0] =	vst v0  }
0xa3: {  	v5 =	vmax.f32 v8, $0.0e+00;
	v0 =	vmul.f32 $1.000000000e+05, v10;
	v2 =	vmul.f32 $1.000000000e+05, v12;
	[tilespmem:s24+$0xFFFFFFB0] =	vst v1;
	s24 =	smov.u32 s25  }
0xa4: {  	v5 =	vmin.f32 v5, $9.999900000e+04;
	v1 =	vmul.f32 $1.000000000e+05, v11;
	[tilespmem:s25+$0xFFFFFFA0] =	vst v3;
	v3 =	vmul.f32 $1.000000000e+05, v7  }
0xa5: {  	s28 =	sadd.s32 $0x100, s28;
	v5 =	vtrunc.f32 v5;
	v6 =	vmin.f32 v4, $9.999900000e+04;
	v4 =	vmax.f32 v9, $0.0e+00  }
0xa6: {  	v2 =	vmax.f32 v2, $0.0e+00  }
0xa7: {  	v5 =	vcvt.f32.s32 v5;
	v6 =	vtrunc.f32 v6;
	v1 =	vmax.f32 v1, $0.0e+00  }
0xa8: {  	v3 =	vmax.f32 v3, $0.0e+00;
	v0 =	vmax.f32 v0, $0.0e+00;
	v2 =	vmin.f32 v2, $9.999900000e+04  }
0xa9: {  	v1 =	vmin.f32 v1, $9.999900000e+04;
	v2 =	vtrunc.f32 v2;
	[tilespmem:s24+$0xFFFFFFD0] =	vst v5;
	v5 =	vcvt.f32.s32 v6  }
0xaa: {  	v0 =	vmin.f32 v0, $9.999900000e+04;
	v1 =	vtrunc.f32 v1;
	v2 =	vcvt.f32.s32 v2  }
0xab: {  	v4 =	vmin.f32 v4, $9.999900000e+04;
	v0 =	vtrunc.f32 v0;
	v1 =	vcvt.f32.s32 v1;
	[tilespmem:s24+$0xFFFFFFE0] =	vst v5  }
0xac: {  	v4 =	vtrunc.f32 v4;
	v0 =	vcvt.f32.s32 v0;
	[tilespmem:s24+$0xFFFFFFC0] =	vst v2;
	v2 =	vmin.f32 v3, $9.999900000e+04  }
0xad: {  	v3 =	vcvt.f32.s32 v4;
	[tilespmem:s24+$0xFFFFFF90] =	vst v1;
	v1 =	vtrunc.f32 v2  }
0xae: {  	[tilespmem:s24+$0xFFFFFFF0] =	vst v0;
	v1 =	vcvt.f32.s32 v1  }
0xaf: {  	[tilespmem:s24+$0x0] =	vst v3  }
0xb0: {  	[tilespmem:s24+$0xFFFFFFB0] =	vst v1  }
0xb1: {  	_ =	swait.ge [sflag:s21], $0x1000  }
0xb2: {  	[sflag:s21] =	ssyncset.done $0x0  }
0xb3: {  	s31 =	simm.s32 $0x1C7F0;
	[sflag:s21] =	ssyncadd.s32 $0xFFFFF000  }
0xb4: {  	v0 =	vld [tilespmem:s31+$0xFFFFFFA0]  }
0xb5: {  	v1 =	vld [tilespmem:s31+$0xFFFFFFD0]  }
0xb6: {  	v2 =	vld [tilespmem:s31+$0xFFFFFFE0]  }
0xb7: {  	v3 =	vld [tilespmem:s31+$0x0]  }
0xb8: {  	v4 =	vld [tilespmem:s31+$0xFFFFFFF0]  }
0xb9: {  	v7 =	vld [tilespmem:s31+$0xFFFFFFB0]  }
0xba: {  	v6 =	vld [tilespmem:s31+$0xFFFFFFC0];
	v0 =	vmul.f32 $1.000000000e+05, v0  }
0xbb: {  	v5 =	vld [tilespmem:s31+$0xFFFFFF90]  }
0xbc: {  	v2 =	vmul.f32 $1.000000000e+05, v2;
	v0 =	vmax.f32 v0, $0.0e+00  }
0xbd: {  	v1 =	vmul.f32 $1.000000000e+05, v1;
	v10 =	vmul.f32 $1.000000000e+05, v3;
	v0 =	vmin.f32 v0, $9.999900000e+04  }
0xbe: {  	v3 =	vmul.f32 $1.000000000e+05, v7;
	v9 =	vmax.f32 v2, $0.0e+00;
	v0 =	vtrunc.f32 v0  }
0xbf: {  	v2 =	vmul.f32 $1.000000000e+05, v6;
	v6 =	vmax.f32 v1, $0.0e+00;
	v8 =	vcvt.f32.s32 v0  }
0xc0: {  	s25 =	simm.s32 $0x1B770;
	v1 =	vmul.f32 $1.000000000e+05, v5;
	v0 =	vmul.f32 $1.000000000e+05, v4;
	v4 =	vmin.f32 v6, $9.999900000e+04  }
0xc1: {  	s26 =	simm.s32 $0x0;
	s28 =	simm.s32 $0x1C8F0;
	s24 =	simm.s32 $0x1B770;
	v6 =	vmin.f32 v9, $9.999900000e+04;
	v5 =	vtrunc.f32 v4;
	v4 =	vmax.f32 v10, $0.0e+00;
	[tilespmem:s25+$0xFFFFFFA0] =	vst v8  }
.LBB2_16:
0xc2: {  	v7 =	vld [tilespmem:s28+$0xFFFFFFA0];
	s26 =	sadd.s32 $0x8, s26;
	v2 =	vmax.f32 v2, $0.0e+00;
	v5 =	vcvt.f32.s32 v5;
	v6 =	vtrunc.f32 v6;
	s25 =	sadd.s32 $0x80, s25  }
0xc3: {  	v1 =	vmax.f32 v1, $0.0e+00;
	v3 =	vmax.f32 v3, $0.0e+00;
	v8 =	vld [tilespmem:s28+$0xFFFFFFD0];
	p0 =	slt.u32 s26, $0xF8;
	v2 =	vmin.f32 v2, $9.999900000e+04  }
0xc4: {  	v4 =	vmin.f32 v4, $9.999900000e+04;
	v1 =	vmin.f32 v1, $9.999900000e+04;
	v9 =	vld [tilespmem:s28+$0xFFFFFFE0];
	v2 =	vtrunc.f32 v2;
	[tilespmem:s24+$0xFFFFFFD0] =	vst v5  }
0xc5: {  	v0 =	vmax.f32 v0, $0.0e+00;
	v4 =	vtrunc.f32 v4;
	v5 =	vld [tilespmem:s28+$0x0];
	v2 =	vcvt.f32.s32 v2  }
0xc6: {  	v3 =	vmin.f32 v3, $9.999900000e+04;
	v6 =	vcvt.f32.s32 v6;
	v4 =	vcvt.f32.s32 v4;
	v10 =	vld [tilespmem:s28+$0xFFFFFFF0]  }
0xc7: {  	v0 =	vmin.f32 v0, $9.999900000e+04;
	v1 =	vtrunc.f32 v1;
	v11 =	vld [tilespmem:s28+$0xFFFFFF90];
	v7 =	vmul.f32 $1.000000000e+05, v7  }
0xc8: {  	v0 =	vtrunc.f32 v0;
	v1 =	vcvt.f32.s32 v1;
	v12 =	vld [tilespmem:s28+$0xFFFFFFC0];
	[tilespmem:s24+$0xFFFFFFC0] =	vst v2  }
0xc9: {  	v0 =	vcvt.f32.s32 v0;
	v8 =	vmul.f32 $1.000000000e+05, v8;
	v2 =	vmax.f32 v7, $0.0e+00;
	v7 =	vld [tilespmem:s28+$0xFFFFFFB0];
	[tilespmem:s24+$0xFFFFFFE0] =	vst v6  }
0xca: {  	v6 =	vmul.f32 $1.000000000e+05, v9;
	v2 =	vmin.f32 v2, $9.999900000e+04;
	[tilespmem:s24+$0xFFFFFF90] =	vst v1;
	v1 =	vtrunc.f32 v3  }
.Ltmp7:
0xcb: {  	v2 =	vtrunc.f32 v2;
	v1 =	vcvt.f32.s32 v1;
	[tilespmem:s24+$0x0] =	vst v4;
	(pc) =	sbr.rel @p0 .LBB2_16-.Ltmp7, $4  }
0xcc: {  	v9 =	vmul.f32 $1.000000000e+05, v5;
	v4 =	vmax.f32 v6, $0.0e+00;
	v3 =	vcvt.f32.s32 v2;
	[tilespmem:s24+$0xFFFFFFF0] =	vst v0  }
0xcd: {  	v5 =	vmax.f32 v8, $0.0e+00;
	v0 =	vmul.f32 $1.000000000e+05, v10;
	v2 =	vmul.f32 $1.000000000e+05, v12;
	[tilespmem:s24+$0xFFFFFFB0] =	vst v1;
	s24 =	smov.u32 s25  }
0xce: {  	v5 =	vmin.f32 v5, $9.999900000e+04;
	v1 =	vmul.f32 $1.000000000e+05, v11;
	[tilespmem:s25+$0xFFFFFFA0] =	vst v3;
	v3 =	vmul.f32 $1.000000000e+05, v7  }
0xcf: {  	s28 =	sadd.s32 $0x100, s28;
	v5 =	vtrunc.f32 v5;
	v6 =	vmin.f32 v4, $9.999900000e+04;
	v4 =	vmax.f32 v9, $0.0e+00  }
0xd0: {  	v2 =	vmax.f32 v2, $0.0e+00  }
0xd1: {  	v5 =	vcvt.f32.s32 v5;
	v6 =	vtrunc.f32 v6;
	v1 =	vmax.f32 v1, $0.0e+00  }
0xd2: {  	v3 =	vmax.f32 v3, $0.0e+00;
	v0 =	vmax.f32 v0, $0.0e+00;
	v2 =	vmin.f32 v2, $9.999900000e+04  }
0xd3: {  	v1 =	vmin.f32 v1, $9.999900000e+04;
	v2 =	vtrunc.f32 v2;
	[tilespmem:s24+$0xFFFFFFD0] =	vst v5;
	v5 =	vcvt.f32.s32 v6  }
0xd4: {  	v0 =	vmin.f32 v0, $9.999900000e+04;
	v1 =	vtrunc.f32 v1;
	v2 =	vcvt.f32.s32 v2  }
0xd5: {  	v4 =	vmin.f32 v4, $9.999900000e+04;
	v0 =	vtrunc.f32 v0;
	v1 =	vcvt.f32.s32 v1;
	[tilespmem:s24+$0xFFFFFFE0] =	vst v5  }
0xd6: {  	v4 =	vtrunc.f32 v4;
	v0 =	vcvt.f32.s32 v0;
	[tilespmem:s24+$0xFFFFFFC0] =	vst v2;
	v2 =	vmin.f32 v3, $9.999900000e+04  }
0xd7: {  	v3 =	vcvt.f32.s32 v4;
	[tilespmem:s24+$0xFFFFFF90] =	vst v1;
	v1 =	vtrunc.f32 v2  }
0xd8: {  	[tilespmem:s24+$0xFFFFFFF0] =	vst v0;
	v1 =	vcvt.f32.s32 v1  }
0xd9: {  	[tilespmem:s24+$0x0] =	vst v3  }
0xda: {  	[tilespmem:s24+$0xFFFFFFB0] =	vst v1  }
0xdb: {  	_ =	swait.ge [sflag:s22], $0x18700  }
0xdc: {  	[sflag:s22] =	ssyncset.done $0x0  }
0xdd: {  	s31 =	simm.s32 $0x18780;
	[sflag:s22] =	ssyncadd.s32 $0xFFFE7900  }
0xde: {  	v0 =	vld [tilespmem:s31+$0x70]  }
0xdf: {  	v1 =	vld [tilespmem:s31+$0xFFFFFF90]  }
0xe0: {  	v2 =	vld [tilespmem:s31+$0xFFFFFFA0]  }
0xe1: {  	v3 =	vld [tilespmem:s31+$0xFFFFFFB0]  }
0xe2: {  	v4 =	vld [tilespmem:s31+$0xFFFFFFC0]  }
0xe3: {  	v5 =	vld [tilespmem:s31+$0xFFFFFFD0]  }
0xe4: {  	v6 =	vld [tilespmem:s31+$0xFFFFFFE0]  }
0xe5: {  	v7 =	vld [tilespmem:s31+$0xFFFFFFF0]  }
0xe6: {  	v8 =	vld [tilespmem:s31+$0x0]  }
0xe7: {  	v9 =	vld [tilespmem:s31+$0x10]  }
0xe8: {  	v10 =	vld [tilespmem:s31+$0x20]  }
0xe9: {  	v11 =	vld [tilespmem:s31+$0x30]  }
0xea: {  	v12 =	vld [tilespmem:s31+$0x40]  }
0xeb: {  	v13 =	vld [tilespmem:s31+$0x50]  }
0xec: {  	v14 =	vld [tilespmem:s31+$0x60]  }
0xed: {  	v15 =	vld [tilespmem:s31+$0xFFFFFF80]  }
0xee: {  	v0 =	vld.idx.msk [tilespmem:v0+s3+$0x0], $0xffff  }
0xef: {  	v1 =	vld.idx.msk [tilespmem:v1+s3+$0x0], $0xffff  }
0xf0: {  	v2 =	vld.idx.msk [tilespmem:v2+s3+$0x0], $0xffff  }
0xf1: {  	v3 =	vld.idx.msk [tilespmem:v3+s3+$0x0], $0xffff  }
0xf2: {  	v4 =	vld.idx.msk [tilespmem:v4+s3+$0x0], $0xffff  }
0xf3: {  	s24 =	simm.s32 $0x1C800;
	v5 =	vld.idx.msk [tilespmem:v5+s3+$0x0], $0xffff  }
0xf4: {  	v6 =	vld.idx.msk [tilespmem:v6+s3+$0x0], $0xffff;
	[tilespmem:s24+$0x70] =	vst v0  }
0xf5: {  	v7 =	vld.idx.msk [tilespmem:v7+s3+$0x0], $0xffff;
	[tilespmem:s24+$0xFFFFFF10] =	vst v1  }
0xf6: {  	v15 =	vld.idx.msk [tilespmem:v15+s3+$0x0], $0xffff;
	[tilespmem:s24+$0xFFFFFF20] =	vst v2  }
0xf7: {  	v8 =	vld.idx.msk [tilespmem:v8+s3+$0x0], $0xffff;
	[tilespmem:s24+$0xFFFFFF30] =	vst v3  }
0xf8: {  	[tilespmem:s24+$0xFFFFFF40] =	vst v4;
	v0 =	vld.idx.msk [tilespmem:v9+s3+$0x0], $0xffff  }
0xf9: {  	[tilespmem:s24+$0xFFFFFF50] =	vst v5;
	v1 =	vld.idx.msk [tilespmem:v10+s3+$0x0], $0xffff  }
0xfa: {  	[tilespmem:s24+$0xFFFFFF60] =	vst v6;
	v2 =	vld.idx.msk [tilespmem:v11+s3+$0x0], $0xffff  }
0xfb: {  	[tilespmem:s24+$0xFFFFFF70] =	vst v7;
	v3 =	vld.idx.msk [tilespmem:v12+s3+$0x0], $0xffff  }
0xfc: {  	[tilespmem:s24+$0xFFFFFF00] =	vst v15;
	v4 =	vld.idx.msk [tilespmem:v13+s3+$0x0], $0xffff  }
0xfd: {  	s25 =	simm.s32 $0x0;
	s26 =	simm.s32 $0x18880;
	[tilespmem:s24+$0x0] =	vst v8;
	v5 =	vld.idx.msk [tilespmem:v14+s3+$0x0], $0xffff  }
.LBB2_18:
0xfe: {  	v6 =	vld [tilespmem:s26+$0x70];
	s25 =	sadd.s32 $0x10, s25;
	[tilespmem:s24+$0x10] =	vst v0  }
0xff: {  	v0 =	vld [tilespmem:s26+$0xFFFFFF90];
	p0 =	slt.u32 s25, $0xF0;
	[tilespmem:s24+$0x20] =	vst v1  }
0x100: {  	v1 =	vld [tilespmem:s26+$0xFFFFFFA0];
	[tilespmem:s24+$0x30] =	vst v2  }
0x101: {  	v2 =	vld [tilespmem:s26+$0xFFFFFFB0];
	[tilespmem:s24+$0x40] =	vst v3  }
0x102: {  	v3 =	vld [tilespmem:s26+$0xFFFFFFC0];
	[tilespmem:s24+$0x50] =	vst v4  }
0x103: {  	v4 =	vld [tilespmem:s26+$0xFFFFFFD0];
	[tilespmem:s24+$0x60] =	vst v5  }
0x104: {  	v5 =	vld [tilespmem:s26+$0xFFFFFFE0]  }
0x105: {  	v7 =	vld [tilespmem:s26+$0xFFFFFFF0]  }
0x106: {  	v6 =	vld.idx.msk [tilespmem:v6+s3+$0x0], $0xffff  }
0x107: {  	v8 =	vld [tilespmem:s26+$0x0]  }
0x108: {  	v9 =	vld [tilespmem:s26+$0x10]  }
0x109: {  	v10 =	vld [tilespmem:s26+$0x20]  }
0x10a: {  	v11 =	vld [tilespmem:s26+$0x30]  }
0x10b: {  	s24 =	sadd.s32 $0x200, s24;
	v12 =	vld [tilespmem:s26+$0x40]  }
0x10c: {  	v13 =	vld [tilespmem:s26+$0x50];
	[tilespmem:s24+$0x70] =	vst v6  }
0x10d: {  	v6 =	vld [tilespmem:s26+$0x60]  }
0x10e: {  	v14 =	vld [tilespmem:s26+$0xFFFFFF80]  }
0x10f: {  	v0 =	vld.idx.msk [tilespmem:v0+s3+$0x0], $0xffff  }
0x110: {  	v1 =	vld.idx.msk [tilespmem:v1+s3+$0x0], $0xffff  }
0x111: {  	v2 =	vld.idx.msk [tilespmem:v2+s3+$0x0], $0xffff  }
0x112: {  	v3 =	vld.idx.msk [tilespmem:v3+s3+$0x0], $0xffff  }
0x113: {  	v4 =	vld.idx.msk [tilespmem:v4+s3+$0x0], $0xffff  }
0x114: {  	v5 =	vld.idx.msk [tilespmem:v5+s3+$0x0], $0xffff  }
0x115: {  	[tilespmem:s24+$0xFFFFFF10] =	vst v0;
	v7 =	vld.idx.msk [tilespmem:v7+s3+$0x0], $0xffff  }
0x116: {  	v14 =	vld.idx.msk [tilespmem:v14+s3+$0x0], $0xffff;
	[tilespmem:s24+$0xFFFFFF20] =	vst v1  }
0x117: {  	[tilespmem:s24+$0xFFFFFF30] =	vst v2;
	v8 =	vld.idx.msk [tilespmem:v8+s3+$0x0], $0xffff  }
0x118: {  	[tilespmem:s24+$0xFFFFFF40] =	vst v3;
	v0 =	vld.idx.msk [tilespmem:v9+s3+$0x0], $0xffff  }
.Ltmp8:
0x119: {  	[tilespmem:s24+$0xFFFFFF50] =	vst v4;
	v1 =	vld.idx.msk [tilespmem:v10+s3+$0x0], $0xffff;
	(pc) =	sbr.rel @p0 .LBB2_18-.Ltmp8, $4  }
0x11a: {  	[tilespmem:s24+$0xFFFFFF60] =	vst v5;
	v2 =	vld.idx.msk [tilespmem:v11+s3+$0x0], $0xffff  }
0x11b: {  	[tilespmem:s24+$0xFFFFFF70] =	vst v7;
	v3 =	vld.idx.msk [tilespmem:v12+s3+$0x0], $0xffff  }
0x11c: {  	[tilespmem:s24+$0xFFFFFF00] =	vst v14;
	v4 =	vld.idx.msk [tilespmem:v13+s3+$0x0], $0xffff  }
0x11d: {  	s26 =	sadd.s32 $0x100, s26;
	[tilespmem:s24+$0x0] =	vst v8;
	v5 =	vld.idx.msk [tilespmem:v6+s3+$0x0], $0xffff  }
0x11e: {  	[tilespmem:s24+$0x10] =	vst v0  }
0x11f: {  	[tilespmem:s24+$0x20] =	vst v1  }
0x120: {  	[tilespmem:s24+$0x30] =	vst v2  }
0x121: {  	[tilespmem:s24+$0x40] =	vst v3  }
0x122: {  	[tilespmem:s24+$0x50] =	vst v4  }
0x123: {  	s25 =	simm.s32 $0x1C700;
	[tilespmem:s24+$0x60] =	vst v5;
	s24 =	simm.s32 $0x0  }
.LBB2_20:
0x124: {  	p0 =	sne.s32 s24, $0xF80  }
.Ltmp9:
0x125: {  	_ = 	snop;
	(pc) =	sbr.rel @p0 .LBB2_20-.Ltmp9, $4  }
0x126: {  	_ = 	snop  }
0x127: {  	s26 =	sadd.s32 s24, s8  }
0x128: {  	[hbm4b:s26+s3] =	stream.linear.scatter [tilespmem:s25], [sflag:$0x2], $0x80, $0x38;
	[tilespmem:$0x1E700] =	vst v63  }
0x129: {  	s24 =	sadd.s32 $0x80, s24;
	s25 =	sadd.s32 $0x100, s25  }
0x12a: {  	s24 =	simm.s32 $0x197F0  }
0x12b: {  	v0 =	vld [tilespmem:s24+$0x0]  }
0x12c: {  	v1 =	vld [tilespmem:s24+$0xFFFFFF20]  }
0x12d: {  	v2 =	vld [tilespmem:s24+$0xFFFFFF30]  }
0x12e: {  	v3 =	vld [tilespmem:s24+$0xFFFFFF40]  }
0x12f: {  	v4 =	vld [tilespmem:s24+$0xFFFFFF50]  }
0x130: {  	v5 =	vld [tilespmem:s24+$0xFFFFFF60]  }
0x131: {  	v6 =	vld [tilespmem:s24+$0xFFFFFF70]  }
0x132: {  	v7 =	vld [tilespmem:s24+$0xFFFFFF80]  }
0x133: {  	v8 =	vld [tilespmem:s24+$0xFFFFFF90]  }
0x134: {  	v9 =	vld [tilespmem:s24+$0xFFFFFFA0]  }
0x135: {  	v10 =	vld [tilespmem:s24+$0xFFFFFFB0]  }
0x136: {  	v11 =	vld [tilespmem:s24+$0xFFFFFFC0]  }
0x137: {  	v12 =	vld [tilespmem:s24+$0xFFFFFFD0]  }
0x138: {  	v13 =	vld [tilespmem:s24+$0xFFFFFFE0]  }
0x139: {  	v14 =	vld [tilespmem:s24+$0xFFFFFFF0]  }
0x13a: {  	v15 =	vld [tilespmem:s24+$0xFFFFFF10]  }
0x13b: {  	v0 =	vld.idx.msk [tilespmem:v0+s3+$0x0], $0xffff  }
0x13c: {  	v1 =	vld.idx.msk [tilespmem:v1+s3+$0x0], $0xffff  }
0x13d: {  	v2 =	vld.idx.msk [tilespmem:v2+s3+$0x0], $0xffff  }
0x13e: {  	v3 =	vld.idx.msk [tilespmem:v3+s3+$0x0], $0xffff  }
0x13f: {  	v4 =	vld.idx.msk [tilespmem:v4+s3+$0x0], $0xffff  }
0x140: {  	s24 =	simm.s32 $0x1C880;
	v5 =	vld.idx.msk [tilespmem:v5+s3+$0x0], $0xffff  }
0x141: {  	v6 =	vld.idx.msk [tilespmem:v6+s3+$0x0], $0xffff;
	[tilespmem:s24+$0x70] =	vst v0  }
0x142: {  	v7 =	vld.idx.msk [tilespmem:v7+s3+$0x0], $0xffff;
	[tilespmem:s24+$0xFFFFFF10] =	vst v1  }
0x143: {  	v15 =	vld.idx.msk [tilespmem:v15+s3+$0x0], $0xffff;
	[tilespmem:s24+$0xFFFFFF20] =	vst v2  }
0x144: {  	v8 =	vld.idx.msk [tilespmem:v8+s3+$0x0], $0xffff;
	[tilespmem:s24+$0xFFFFFF30] =	vst v3  }
0x145: {  	[tilespmem:s24+$0xFFFFFF40] =	vst v4;
	v0 =	vld.idx.msk [tilespmem:v9+s3+$0x0], $0xffff  }
0x146: {  	[tilespmem:s24+$0xFFFFFF50] =	vst v5;
	v1 =	vld.idx.msk [tilespmem:v10+s3+$0x0], $0xffff  }
0x147: {  	[tilespmem:s24+$0xFFFFFF60] =	vst v6;
	v2 =	vld.idx.msk [tilespmem:v11+s3+$0x0], $0xffff  }
0x148: {  	[tilespmem:s24+$0xFFFFFF70] =	vst v7;
	v3 =	vld.idx.msk [tilespmem:v12+s3+$0x0], $0xffff  }
0x149: {  	[tilespmem:s24+$0xFFFFFF00] =	vst v15;
	v4 =	vld.idx.msk [tilespmem:v13+s3+$0x0], $0xffff  }
0x14a: {  	s25 =	simm.s32 $0x0;
	s26 =	simm.s32 $0x198F0;
	[tilespmem:s24+$0x0] =	vst v8;
	v5 =	vld.idx.msk [tilespmem:v14+s3+$0x0], $0xffff  }
.LBB2_22:
0x14b: {  	v6 =	vld [tilespmem:s26+$0x0];
	s25 =	sadd.s32 $0x10, s25;
	[tilespmem:s24+$0x10] =	vst v0  }
0x14c: {  	v0 =	vld [tilespmem:s26+$0xFFFFFF20];
	p0 =	slt.u32 s25, $0xF0;
	[tilespmem:s24+$0x20] =	vst v1  }
0x14d: {  	v1 =	vld [tilespmem:s26+$0xFFFFFF30];
	[tilespmem:s24+$0x30] =	vst v2  }
0x14e: {  	v2 =	vld [tilespmem:s26+$0xFFFFFF40];
	[tilespmem:s24+$0x40] =	vst v3  }
0x14f: {  	v3 =	vld [tilespmem:s26+$0xFFFFFF50];
	[tilespmem:s24+$0x50] =	vst v4  }
0x150: {  	v4 =	vld [tilespmem:s26+$0xFFFFFF60];
	[tilespmem:s24+$0x60] =	vst v5  }
0x151: {  	v5 =	vld [tilespmem:s26+$0xFFFFFF70]  }
0x152: {  	v7 =	vld [tilespmem:s26+$0xFFFFFF80]  }
0x153: {  	v6 =	vld.idx.msk [tilespmem:v6+s3+$0x0], $0xffff  }
0x154: {  	v8 =	vld [tilespmem:s26+$0xFFFFFF90]  }
0x155: {  	v9 =	vld [tilespmem:s26+$0xFFFFFFA0]  }
0x156: {  	v10 =	vld [tilespmem:s26+$0xFFFFFFB0]  }
0x157: {  	v11 =	vld [tilespmem:s26+$0xFFFFFFC0]  }
0x158: {  	s24 =	sadd.s32 $0x200, s24;
	v12 =	vld [tilespmem:s26+$0xFFFFFFD0]  }
0x159: {  	v13 =	vld [tilespmem:s26+$0xFFFFFFE0];
	[tilespmem:s24+$0x70] =	vst v6  }
0x15a: {  	v6 =	vld [tilespmem:s26+$0xFFFFFFF0]  }
0x15b: {  	v14 =	vld [tilespmem:s26+$0xFFFFFF10]  }
0x15c: {  	v0 =	vld.idx.msk [tilespmem:v0+s3+$0x0], $0xffff  }
0x15d: {  	v1 =	vld.idx.msk [tilespmem:v1+s3+$0x0], $0xffff  }
0x15e: {  	v2 =	vld.idx.msk [tilespmem:v2+s3+$0x0], $0xffff  }
0x15f: {  	v3 =	vld.idx.msk [tilespmem:v3+s3+$0x0], $0xffff  }
0x160: {  	v4 =	vld.idx.msk [tilespmem:v4+s3+$0x0], $0xffff  }
0x161: {  	v5 =	vld.idx.msk [tilespmem:v5+s3+$0x0], $0xffff  }
0x162: {  	[tilespmem:s24+$0xFFFFFF10] =	vst v0;
	v7 =	vld.idx.msk [tilespmem:v7+s3+$0x0], $0xffff  }
0x163: {  	v14 =	vld.idx.msk [tilespmem:v14+s3+$0x0], $0xffff;
	[tilespmem:s24+$0xFFFFFF20] =	vst v1  }
0x164: {  	[tilespmem:s24+$0xFFFFFF30] =	vst v2;
	v8 =	vld.idx.msk [tilespmem:v8+s3+$0x0], $0xffff  }
0x165: {  	[tilespmem:s24+$0xFFFFFF40] =	vst v3;
	v0 =	vld.idx.msk [tilespmem:v9+s3+$0x0], $0xffff  }
.Ltmp10:
0x166: {  	[tilespmem:s24+$0xFFFFFF50] =	vst v4;
	v1 =	vld.idx.msk [tilespmem:v10+s3+$0x0], $0xffff;
	(pc) =	sbr.rel @p0 .LBB2_22-.Ltmp10, $4  }
0x167: {  	[tilespmem:s24+$0xFFFFFF60] =	vst v5;
	v2 =	vld.idx.msk [tilespmem:v11+s3+$0x0], $0xffff  }
0x168: {  	[tilespmem:s24+$0xFFFFFF70] =	vst v7;
	v3 =	vld.idx.msk [tilespmem:v12+s3+$0x0], $0xffff  }
0x169: {  	[tilespmem:s24+$0xFFFFFF00] =	vst v14;
	v4 =	vld.idx.msk [tilespmem:v13+s3+$0x0], $0xffff  }
0x16a: {  	s26 =	sadd.s32 $0x100, s26;
	[tilespmem:s24+$0x0] =	vst v8;
	v5 =	vld.idx.msk [tilespmem:v6+s3+$0x0], $0xffff  }
0x16b: {  	[tilespmem:s24+$0x10] =	vst v0  }
0x16c: {  	[tilespmem:s24+$0x20] =	vst v1  }
0x16d: {  	[tilespmem:s24+$0x30] =	vst v2  }
0x16e: {  	[tilespmem:s24+$0x40] =	vst v3  }
0x16f: {  	s25 =	simm.s32 $0x1C780;
	[tilespmem:s24+$0x50] =	vst v4  }
0x170: {  	s28 =	sadd.s32 $0x0, s9;
	s26 =	simm.s32 $0x1C880;
	[tilespmem:s24+$0x60] =	vst v5;
	s24 =	simm.s32 $0x80  }
.LBB2_24:
0x171: {  	[hbm4b:s28+s3] =	stream.linear.scatter [tilespmem:s25], [sflag:$0x3], $0x80, $0x38;
	[tilespmem:$0x1E700] =	vst v63  }
0x172: {  	s28 =	smov.u32 s24;
	s25 =	smov.u32 s26;
	p0 =	sne.s32 s24, $0xF80  }
.Ltmp11:
0x173: {  	s24 =	sadd.s32 $0x80, s24;
	(pc) =	sbr.rel @p0 .LBB2_24-.Ltmp11, $2  }
0x174: {  	_ =	sdelay $0x2  }
0x175: {  	s26 =	sadd.s32 $0x100, s26;
	s28 =	sadd.s32 s28, s9  }
0x176: {  	[hbm4b:s28+s3] =	stream.linear.scatter [tilespmem:s25], [sflag:$0x3], $0x80, $0x38;
	[tilespmem:$0x1E700] =	vst v63  }
0x177: {  	_ =	swait.ge [sflag:s20], $0x1000  }
0x178: {  	[sflag:s20] =	ssyncset.done $0x0  }
0x179: {  	s24 =	simm.s32 $0x1A7F0;
	[sflag:s20] =	ssyncadd.s32 $0xFFFFF000  }
0x17a: {  	v0 =	vld [tilespmem:s24+$0x0]  }
0x17b: {  	v1 =	vld [tilespmem:s24+$0xFFFFFF20]  }
0x17c: {  	v2 =	vld [tilespmem:s24+$0xFFFFFF30]  }
0x17d: {  	v3 =	vld [tilespmem:s24+$0xFFFFFF40]  }
0x17e: {  	v4 =	vld [tilespmem:s24+$0xFFFFFF50]  }
0x17f: {  	v5 =	vld [tilespmem:s24+$0xFFFFFF60]  }
0x180: {  	v6 =	vld [tilespmem:s24+$0xFFFFFF70]  }
0x181: {  	v7 =	vld [tilespmem:s24+$0xFFFFFF80]  }
0x182: {  	v8 =	vld [tilespmem:s24+$0xFFFFFF90]  }
0x183: {  	v9 =	vld [tilespmem:s24+$0xFFFFFFA0]  }
0x184: {  	v10 =	vld [tilespmem:s24+$0xFFFFFFB0]  }
0x185: {  	v11 =	vld [tilespmem:s24+$0xFFFFFFC0]  }
0x186: {  	v12 =	vld [tilespmem:s24+$0xFFFFFFD0]  }
0x187: {  	v13 =	vld [tilespmem:s24+$0xFFFFFFE0]  }
0x188: {  	v14 =	vld [tilespmem:s24+$0xFFFFFFF0]  }
0x189: {  	v15 =	vld [tilespmem:s24+$0xFFFFFF10]  }
0x18a: {  	v0 =	vld.idx.msk [tilespmem:v0+s3+$0x0], $0xffff  }
0x18b: {  	v1 =	vld.idx.msk [tilespmem:v1+s3+$0x0], $0xffff  }
0x18c: {  	v2 =	vld.idx.msk [tilespmem:v2+s3+$0x0], $0xffff  }
0x18d: {  	v3 =	vld.idx.msk [tilespmem:v3+s3+$0x0], $0xffff  }
0x18e: {  	v4 =	vld.idx.msk [tilespmem:v4+s3+$0x0], $0xffff  }
0x18f: {  	s24 =	simm.s32 $0x1C800;
	v5 =	vld.idx.msk [tilespmem:v5+s3+$0x0], $0xffff  }
0x190: {  	v6 =	vld.idx.msk [tilespmem:v6+s3+$0x0], $0xffff;
	[tilespmem:s24+$0x70] =	vst v0  }
0x191: {  	v7 =	vld.idx.msk [tilespmem:v7+s3+$0x0], $0xffff;
	[tilespmem:s24+$0xFFFFFF10] =	vst v1  }
0x192: {  	v15 =	vld.idx.msk [tilespmem:v15+s3+$0x0], $0xffff;
	[tilespmem:s24+$0xFFFFFF20] =	vst v2  }
0x193: {  	v8 =	vld.idx.msk [tilespmem:v8+s3+$0x0], $0xffff;
	[tilespmem:s24+$0xFFFFFF30] =	vst v3  }
0x194: {  	[tilespmem:s24+$0xFFFFFF40] =	vst v4;
	v0 =	vld.idx.msk [tilespmem:v9+s3+$0x0], $0xffff  }
0x195: {  	[tilespmem:s24+$0xFFFFFF50] =	vst v5;
	v1 =	vld.idx.msk [tilespmem:v10+s3+$0x0], $0xffff  }
0x196: {  	[tilespmem:s24+$0xFFFFFF60] =	vst v6;
	v2 =	vld.idx.msk [tilespmem:v11+s3+$0x0], $0xffff  }
0x197: {  	[tilespmem:s24+$0xFFFFFF70] =	vst v7;
	v3 =	vld.idx.msk [tilespmem:v12+s3+$0x0], $0xffff  }
0x198: {  	[tilespmem:s24+$0xFFFFFF00] =	vst v15;
	v4 =	vld.idx.msk [tilespmem:v13+s3+$0x0], $0xffff  }
0x199: {  	s25 =	simm.s32 $0x0;
	s26 =	simm.s32 $0x1A8F0;
	[tilespmem:s24+$0x0] =	vst v8;
	v5 =	vld.idx.msk [tilespmem:v14+s3+$0x0], $0xffff  }
.LBB2_26:
0x19a: {  	v6 =	vld [tilespmem:s26+$0x0];
	s25 =	sadd.s32 $0x10, s25;
	[tilespmem:s24+$0x10] =	vst v0  }
0x19b: {  	v0 =	vld [tilespmem:s26+$0xFFFFFF20];
	p0 =	slt.u32 s25, $0xF0;
	[tilespmem:s24+$0x20] =	vst v1  }
0x19c: {  	v1 =	vld [tilespmem:s26+$0xFFFFFF30];
	[tilespmem:s24+$0x30] =	vst v2  }
0x19d: {  	v2 =	vld [tilespmem:s26+$0xFFFFFF40];
	[tilespmem:s24+$0x40] =	vst v3  }
0x19e: {  	v3 =	vld [tilespmem:s26+$0xFFFFFF50];
	[tilespmem:s24+$0x50] =	vst v4  }
0x19f: {  	v4 =	vld [tilespmem:s26+$0xFFFFFF60];
	[tilespmem:s24+$0x60] =	vst v5  }
0x1a0: {  	v5 =	vld [tilespmem:s26+$0xFFFFFF70]  }
0x1a1: {  	v7 =	vld [tilespmem:s26+$0xFFFFFF80]  }
0x1a2: {  	v6 =	vld.idx.msk [tilespmem:v6+s3+$0x0], $0xffff  }
0x1a3: {  	v8 =	vld [tilespmem:s26+$0xFFFFFF90]  }
0x1a4: {  	v9 =	vld [tilespmem:s26+$0xFFFFFFA0]  }
0x1a5: {  	v10 =	vld [tilespmem:s26+$0xFFFFFFB0]  }
0x1a6: {  	v11 =	vld [tilespmem:s26+$0xFFFFFFC0]  }
0x1a7: {  	s24 =	sadd.s32 $0x200, s24;
	v12 =	vld [tilespmem:s26+$0xFFFFFFD0]  }
0x1a8: {  	v13 =	vld [tilespmem:s26+$0xFFFFFFE0];
	[tilespmem:s24+$0x70] =	vst v6  }
0x1a9: {  	v6 =	vld [tilespmem:s26+$0xFFFFFFF0]  }
0x1aa: {  	v14 =	vld [tilespmem:s26+$0xFFFFFF10]  }
0x1ab: {  	v0 =	vld.idx.msk [tilespmem:v0+s3+$0x0], $0xffff  }
0x1ac: {  	v1 =	vld.idx.msk [tilespmem:v1+s3+$0x0], $0xffff  }
0x1ad: {  	v2 =	vld.idx.msk [tilespmem:v2+s3+$0x0], $0xffff  }
0x1ae: {  	v3 =	vld.idx.msk [tilespmem:v3+s3+$0x0], $0xffff  }
0x1af: {  	v4 =	vld.idx.msk [tilespmem:v4+s3+$0x0], $0xffff  }
0x1b0: {  	v5 =	vld.idx.msk [tilespmem:v5+s3+$0x0], $0xffff  }
0x1b1: {  	[tilespmem:s24+$0xFFFFFF10] =	vst v0;
	v7 =	vld.idx.msk [tilespmem:v7+s3+$0x0], $0xffff  }
0x1b2: {  	v14 =	vld.idx.msk [tilespmem:v14+s3+$0x0], $0xffff;
	[tilespmem:s24+$0xFFFFFF20] =	vst v1  }
0x1b3: {  	[tilespmem:s24+$0xFFFFFF30] =	vst v2;
	v8 =	vld.idx.msk [tilespmem:v8+s3+$0x0], $0xffff  }
0x1b4: {  	[tilespmem:s24+$0xFFFFFF40] =	vst v3;
	v0 =	vld.idx.msk [tilespmem:v9+s3+$0x0], $0xffff  }
.Ltmp12:
0x1b5: {  	[tilespmem:s24+$0xFFFFFF50] =	vst v4;
	v1 =	vld.idx.msk [tilespmem:v10+s3+$0x0], $0xffff;
	(pc) =	sbr.rel @p0 .LBB2_26-.Ltmp12, $4  }
0x1b6: {  	[tilespmem:s24+$0xFFFFFF60] =	vst v5;
	v2 =	vld.idx.msk [tilespmem:v11+s3+$0x0], $0xffff  }
0x1b7: {  	[tilespmem:s24+$0xFFFFFF70] =	vst v7;
	v3 =	vld.idx.msk [tilespmem:v12+s3+$0x0], $0xffff  }
0x1b8: {  	[tilespmem:s24+$0xFFFFFF00] =	vst v14;
	v4 =	vld.idx.msk [tilespmem:v13+s3+$0x0], $0xffff  }
0x1b9: {  	s26 =	sadd.s32 $0x100, s26;
	[tilespmem:s24+$0x0] =	vst v8;
	v5 =	vld.idx.msk [tilespmem:v6+s3+$0x0], $0xffff  }
0x1ba: {  	[tilespmem:s24+$0x10] =	vst v0  }
0x1bb: {  	[tilespmem:s24+$0x20] =	vst v1  }
0x1bc: {  	[tilespmem:s24+$0x30] =	vst v2  }
0x1bd: {  	[tilespmem:s24+$0x40] =	vst v3  }
0x1be: {  	s25 =	simm.s32 $0x1C700;
	[tilespmem:s24+$0x50] =	vst v4  }
0x1bf: {  	s28 =	sadd.s32 $0x0, s10;
	s26 =	simm.s32 $0x1C800;
	[tilespmem:s24+$0x60] =	vst v5;
	s24 =	simm.s32 $0x80  }
.LBB2_28:
0x1c0: {  	[hbm4b:s28+s3] =	stream.linear.scatter [tilespmem:s25], [sflag:$0x2], $0x80, $0x38;
	[tilespmem:$0x1E700] =	vst v63  }
0x1c1: {  	s28 =	smov.u32 s24;
	s25 =	smov.u32 s26;
	p0 =	sne.s32 s24, $0xF80  }
.Ltmp13:
0x1c2: {  	s24 =	sadd.s32 $0x80, s24;
	(pc) =	sbr.rel @p0 .LBB2_28-.Ltmp13, $2  }
0x1c3: {  	_ =	sdelay $0x2  }
0x1c4: {  	s26 =	sadd.s32 $0x100, s26;
	s28 =	sadd.s32 s28, s10  }
0x1c5: {  	[hbm4b:s28+s3] =	stream.linear.scatter [tilespmem:s25], [sflag:$0x2], $0x80, $0x38;
	[tilespmem:$0x1E700] =	vst v63  }
0x1c6: {  	_ =	swait.ge [sflag:s21], $0x1000  }
0x1c7: {  	[sflag:s21] =	ssyncset.done $0x0  }
0x1c8: {  	s24 =	simm.s32 $0x1B7F0;
	[sflag:s21] =	ssyncadd.s32 $0xFFFFF000  }
0x1c9: {  	v0 =	vld [tilespmem:s24+$0x0]  }
0x1ca: {  	v1 =	vld [tilespmem:s24+$0xFFFFFF20]  }
0x1cb: {  	v2 =	vld [tilespmem:s24+$0xFFFFFF30]  }
0x1cc: {  	v3 =	vld [tilespmem:s24+$0xFFFFFF40]  }
0x1cd: {  	v4 =	vld [tilespmem:s24+$0xFFFFFF50]  }
0x1ce: {  	v5 =	vld [tilespmem:s24+$0xFFFFFF60]  }
0x1cf: {  	v6 =	vld [tilespmem:s24+$0xFFFFFF70]  }
0x1d0: {  	v7 =	vld [tilespmem:s24+$0xFFFFFF80]  }
0x1d1: {  	v8 =	vld [tilespmem:s24+$0xFFFFFF90]  }
0x1d2: {  	v9 =	vld [tilespmem:s24+$0xFFFFFFA0]  }
0x1d3: {  	v10 =	vld [tilespmem:s24+$0xFFFFFFB0]  }
0x1d4: {  	v11 =	vld [tilespmem:s24+$0xFFFFFFC0]  }
0x1d5: {  	v12 =	vld [tilespmem:s24+$0xFFFFFFD0]  }
0x1d6: {  	v13 =	vld [tilespmem:s24+$0xFFFFFFE0]  }
0x1d7: {  	v14 =	vld [tilespmem:s24+$0xFFFFFFF0]  }
0x1d8: {  	v15 =	vld [tilespmem:s24+$0xFFFFFF10]  }
0x1d9: {  	v0 =	vld.idx.msk [tilespmem:v0+s3+$0x0], $0xffff  }
0x1da: {  	v1 =	vld.idx.msk [tilespmem:v1+s3+$0x0], $0xffff  }
0x1db: {  	v2 =	vld.idx.msk [tilespmem:v2+s3+$0x0], $0xffff  }
0x1dc: {  	v3 =	vld.idx.msk [tilespmem:v3+s3+$0x0], $0xffff  }
0x1dd: {  	v4 =	vld.idx.msk [tilespmem:v4+s3+$0x0], $0xffff  }
0x1de: {  	s24 =	simm.s32 $0x1C880;
	v5 =	vld.idx.msk [tilespmem:v5+s3+$0x0], $0xffff  }
0x1df: {  	v6 =	vld.idx.msk [tilespmem:v6+s3+$0x0], $0xffff;
	[tilespmem:s24+$0x70] =	vst v0  }
0x1e0: {  	v7 =	vld.idx.msk [tilespmem:v7+s3+$0x0], $0xffff;
	[tilespmem:s24+$0xFFFFFF10] =	vst v1  }
0x1e1: {  	v15 =	vld.idx.msk [tilespmem:v15+s3+$0x0], $0xffff;
	[tilespmem:s24+$0xFFFFFF20] =	vst v2  }
0x1e2: {  	v8 =	vld.idx.msk [tilespmem:v8+s3+$0x0], $0xffff;
	[tilespmem:s24+$0xFFFFFF30] =	vst v3  }
0x1e3: {  	[tilespmem:s24+$0xFFFFFF40] =	vst v4;
	v0 =	vld.idx.msk [tilespmem:v9+s3+$0x0], $0xffff  }
0x1e4: {  	[tilespmem:s24+$0xFFFFFF50] =	vst v5;
	v1 =	vld.idx.msk [tilespmem:v10+s3+$0x0], $0xffff  }
0x1e5: {  	[tilespmem:s24+$0xFFFFFF60] =	vst v6;
	v2 =	vld.idx.msk [tilespmem:v11+s3+$0x0], $0xffff  }
0x1e6: {  	[tilespmem:s24+$0xFFFFFF70] =	vst v7;
	v3 =	vld.idx.msk [tilespmem:v12+s3+$0x0], $0xffff  }
0x1e7: {  	[tilespmem:s24+$0xFFFFFF00] =	vst v15;
	v4 =	vld.idx.msk [tilespmem:v13+s3+$0x0], $0xffff  }
0x1e8: {  	s25 =	simm.s32 $0x0;
	s26 =	simm.s32 $0x1B8F0;
	[tilespmem:s24+$0x0] =	vst v8;
	v5 =	vld.idx.msk [tilespmem:v14+s3+$0x0], $0xffff  }
.LBB2_30:
0x1e9: {  	v6 =	vld [tilespmem:s26+$0x0];
	s25 =	sadd.s32 $0x10, s25;
	[tilespmem:s24+$0x10] =	vst v0  }
0x1ea: {  	v0 =	vld [tilespmem:s26+$0xFFFFFF20];
	p0 =	slt.u32 s25, $0xF0;
	[tilespmem:s24+$0x20] =	vst v1  }
0x1eb: {  	v1 =	vld [tilespmem:s26+$0xFFFFFF30];
	[tilespmem:s24+$0x30] =	vst v2  }
0x1ec: {  	v2 =	vld [tilespmem:s26+$0xFFFFFF40];
	[tilespmem:s24+$0x40] =	vst v3  }
0x1ed: {  	v3 =	vld [tilespmem:s26+$0xFFFFFF50];
	[tilespmem:s24+$0x50] =	vst v4  }
0x1ee: {  	v4 =	vld [tilespmem:s26+$0xFFFFFF60];
	[tilespmem:s24+$0x60] =	vst v5  }
0x1ef: {  	v5 =	vld [tilespmem:s26+$0xFFFFFF70]  }
0x1f0: {  	v7 =	vld [tilespmem:s26+$0xFFFFFF80]  }
0x1f1: {  	v6 =	vld.idx.msk [tilespmem:v6+s3+$0x0], $0xffff  }
0x1f2: {  	v8 =	vld [tilespmem:s26+$0xFFFFFF90]  }
0x1f3: {  	v9 =	vld [tilespmem:s26+$0xFFFFFFA0]  }
0x1f4: {  	v10 =	vld [tilespmem:s26+$0xFFFFFFB0]  }
0x1f5: {  	v11 =	vld [tilespmem:s26+$0xFFFFFFC0]  }
0x1f6: {  	s24 =	sadd.s32 $0x200, s24;
	v12 =	vld [tilespmem:s26+$0xFFFFFFD0]  }
0x1f7: {  	v13 =	vld [tilespmem:s26+$0xFFFFFFE0];
	[tilespmem:s24+$0x70] =	vst v6  }
0x1f8: {  	v6 =	vld [tilespmem:s26+$0xFFFFFFF0]  }
0x1f9: {  	v14 =	vld [tilespmem:s26+$0xFFFFFF10]  }
0x1fa: {  	v0 =	vld.idx.msk [tilespmem:v0+s3+$0x0], $0xffff  }
0x1fb: {  	v1 =	vld.idx.msk [tilespmem:v1+s3+$0x0], $0xffff  }
0x1fc: {  	v2 =	vld.idx.msk [tilespmem:v2+s3+$0x0], $0xffff  }
0x1fd: {  	v3 =	vld.idx.msk [tilespmem:v3+s3+$0x0], $0xffff  }
0x1fe: {  	v4 =	vld.idx.msk [tilespmem:v4+s3+$0x0], $0xffff  }
0x1ff: {  	v5 =	vld.idx.msk [tilespmem:v5+s3+$0x0], $0xffff  }
0x200: {  	[tilespmem:s24+$0xFFFFFF10] =	vst v0;
	v7 =	vld.idx.msk [tilespmem:v7+s3+$0x0], $0xffff  }
0x201: {  	v14 =	vld.idx.msk [tilespmem:v14+s3+$0x0], $0xffff;
	[tilespmem:s24+$0xFFFFFF20] =	vst v1  }
0x202: {  	[tilespmem:s24+$0xFFFFFF30] =	vst v2;
	v8 =	vld.idx.msk [tilespmem:v8+s3+$0x0], $0xffff  }
0x203: {  	[tilespmem:s24+$0xFFFFFF40] =	vst v3;
	v0 =	vld.idx.msk [tilespmem:v9+s3+$0x0], $0xffff  }
.Ltmp14:
0x204: {  	[tilespmem:s24+$0xFFFFFF50] =	vst v4;
	v1 =	vld.idx.msk [tilespmem:v10+s3+$0x0], $0xffff;
	(pc) =	sbr.rel @p0 .LBB2_30-.Ltmp14, $4  }
0x205: {  	[tilespmem:s24+$0xFFFFFF60] =	vst v5;
	v2 =	vld.idx.msk [tilespmem:v11+s3+$0x0], $0xffff  }
0x206: {  	[tilespmem:s24+$0xFFFFFF70] =	vst v7;
	v3 =	vld.idx.msk [tilespmem:v12+s3+$0x0], $0xffff  }
0x207: {  	[tilespmem:s24+$0xFFFFFF00] =	vst v14;
	v4 =	vld.idx.msk [tilespmem:v13+s3+$0x0], $0xffff  }
0x208: {  	s26 =	sadd.s32 $0x100, s26;
	[tilespmem:s24+$0x0] =	vst v8;
	v5 =	vld.idx.msk [tilespmem:v6+s3+$0x0], $0xffff  }
0x209: {  	[tilespmem:s24+$0x10] =	vst v0  }
0x20a: {  	[tilespmem:s24+$0x20] =	vst v1  }
0x20b: {  	[tilespmem:s24+$0x30] =	vst v2  }
0x20c: {  	[tilespmem:s24+$0x40] =	vst v3  }
0x20d: {  	s25 =	simm.s32 $0x1C780;
	[tilespmem:s24+$0x50] =	vst v4  }
0x20e: {  	s28 =	sadd.s32 $0x0, s11;
	s26 =	simm.s32 $0x1C880;
	[tilespmem:s24+$0x60] =	vst v5;
	s24 =	simm.s32 $0x80  }
.LBB2_32:
0x20f: {  	[hbm4b:s28+s3] =	stream.linear.scatter [tilespmem:s25], [sflag:$0x3], $0x80, $0x38;
	[tilespmem:$0x1E700] =	vst v63  }
0x210: {  	s28 =	smov.u32 s24;
	s25 =	smov.u32 s26;
	p0 =	sne.s32 s24, $0xF80  }
.Ltmp15:
0x211: {  	s24 =	sadd.s32 $0x80, s24;
	(pc) =	sbr.rel @p0 .LBB2_32-.Ltmp15, $2  }
0x212: {  	_ =	sdelay $0x2  }
0x213: {  	s26 =	sadd.s32 $0x100, s26;
	s28 =	sadd.s32 s28, s11  }
0x214: {  	[hbm4b:s28+s3] =	stream.linear.scatter [tilespmem:s25], [sflag:$0x3], $0x80, $0x38;
	[tilespmem:$0x1E700] =	vst v63  }
0x215: {  	_ = 	snop  }
0x216: {  	[tilespmem:s3], [sflag:$0x1] =	stream.strided.gather [hbm4b:s12+s18], $0x18700, s19, s18, $0x38;
	[tilespmem:$0x1E700] =	vst v63  }
0x217: {  	_ =	swait.ge [sflag:s22], $0x18700  }
0x218: {  	[sflag:s22] =	ssyncset.done $0x0  }
0x219: {  	[sflag:s22] =	ssyncadd.s32 $0xFFFE7900  }
0x21a: {  	_ =	swait.ge [sflag:s20], $0x1000  }
0x21b: {  	[sflag:s20] =	ssyncset.done $0x0  }
0x21c: {  	s24 =	simm.s32 $0x18780;
	[sflag:s20] =	ssyncadd.s32 $0xFFFFF000  }
0x21d: {  	v0 =	vld [tilespmem:s24+$0x70]  }
0x21e: {  	v1 =	vld [tilespmem:s24+$0xFFFFFF90]  }
0x21f: {  	v2 =	vld [tilespmem:s24+$0xFFFFFFA0]  }
0x220: {  	v3 =	vld [tilespmem:s24+$0xFFFFFFB0]  }
0x221: {  	v4 =	vld [tilespmem:s24+$0xFFFFFFC0]  }
0x222: {  	v5 =	vld [tilespmem:s24+$0xFFFFFFD0]  }
0x223: {  	v6 =	vld [tilespmem:s24+$0xFFFFFFE0]  }
0x224: {  	v7 =	vld [tilespmem:s24+$0xFFFFFFF0]  }
0x225: {  	v8 =	vld [tilespmem:s24+$0x0]  }
0x226: {  	v9 =	vld [tilespmem:s24+$0x10]  }
0x227: {  	v10 =	vld [tilespmem:s24+$0x20]  }
0x228: {  	v11 =	vld [tilespmem:s24+$0x30]  }
0x229: {  	v12 =	vld [tilespmem:s24+$0x40]  }
0x22a: {  	v13 =	vld [tilespmem:s24+$0x50]  }
0x22b: {  	v14 =	vld [tilespmem:s24+$0x60]  }
0x22c: {  	v15 =	vld [tilespmem:s24+$0xFFFFFF80]  }
0x22d: {  	v0 =	vld.idx.msk [tilespmem:v0+s3+$0x0], $0xffff  }
0x22e: {  	v1 =	vld.idx.msk [tilespmem:v1+s3+$0x0], $0xffff  }
0x22f: {  	v2 =	vld.idx.msk [tilespmem:v2+s3+$0x0], $0xffff  }
0x230: {  	v3 =	vld.idx.msk [tilespmem:v3+s3+$0x0], $0xffff  }
0x231: {  	v4 =	vld.idx.msk [tilespmem:v4+s3+$0x0], $0xffff  }
0x232: {  	s24 =	simm.s32 $0x1C800;
	v5 =	vld.idx.msk [tilespmem:v5+s3+$0x0], $0xffff  }
0x233: {  	v6 =	vld.idx.msk [tilespmem:v6+s3+$0x0], $0xffff;
	[tilespmem:s24+$0x70] =	vst v0  }
0x234: {  	v7 =	vld.idx.msk [tilespmem:v7+s3+$0x0], $0xffff;
	[tilespmem:s24+$0xFFFFFF10] =	vst v1  }
0x235: {  	v15 =	vld.idx.msk [tilespmem:v15+s3+$0x0], $0xffff;
	[tilespmem:s24+$0xFFFFFF20] =	vst v2  }
0x236: {  	v8 =	vld.idx.msk [tilespmem:v8+s3+$0x0], $0xffff;
	[tilespmem:s24+$0xFFFFFF30] =	vst v3  }
0x237: {  	[tilespmem:s24+$0xFFFFFF40] =	vst v4;
	v0 =	vld.idx.msk [tilespmem:v9+s3+$0x0], $0xffff  }
0x238: {  	[tilespmem:s24+$0xFFFFFF50] =	vst v5;
	v1 =	vld.idx.msk [tilespmem:v10+s3+$0x0], $0xffff  }
0x239: {  	[tilespmem:s24+$0xFFFFFF60] =	vst v6;
	v2 =	vld.idx.msk [tilespmem:v11+s3+$0x0], $0xffff  }
0x23a: {  	[tilespmem:s24+$0xFFFFFF70] =	vst v7;
	v3 =	vld.idx.msk [tilespmem:v12+s3+$0x0], $0xffff  }
0x23b: {  	[tilespmem:s24+$0xFFFFFF00] =	vst v15;
	v4 =	vld.idx.msk [tilespmem:v13+s3+$0x0], $0xffff  }
0x23c: {  	s25 =	simm.s32 $0x0;
	s26 =	simm.s32 $0x18880;
	[tilespmem:s24+$0x0] =	vst v8;
	v5 =	vld.idx.msk [tilespmem:v14+s3+$0x0], $0xffff  }
.LBB2_34:
0x23d: {  	v6 =	vld [tilespmem:s26+$0x70];
	s25 =	sadd.s32 $0x10, s25;
	[tilespmem:s24+$0x10] =	vst v0  }
0x23e: {  	v0 =	vld [tilespmem:s26+$0xFFFFFF90];
	p0 =	slt.u32 s25, $0xF0;
	[tilespmem:s24+$0x20] =	vst v1  }
0x23f: {  	v1 =	vld [tilespmem:s26+$0xFFFFFFA0];
	[tilespmem:s24+$0x30] =	vst v2  }
0x240: {  	v2 =	vld [tilespmem:s26+$0xFFFFFFB0];
	[tilespmem:s24+$0x40] =	vst v3  }
0x241: {  	v3 =	vld [tilespmem:s26+$0xFFFFFFC0];
	[tilespmem:s24+$0x50] =	vst v4  }
0x242: {  	v4 =	vld [tilespmem:s26+$0xFFFFFFD0];
	[tilespmem:s24+$0x60] =	vst v5  }
0x243: {  	v5 =	vld [tilespmem:s26+$0xFFFFFFE0]  }
0x244: {  	v7 =	vld [tilespmem:s26+$0xFFFFFFF0]  }
0x245: {  	v6 =	vld.idx.msk [tilespmem:v6+s3+$0x0], $0xffff  }
0x246: {  	v8 =	vld [tilespmem:s26+$0x0]  }
0x247: {  	v9 =	vld [tilespmem:s26+$0x10]  }
0x248: {  	v10 =	vld [tilespmem:s26+$0x20]  }
0x249: {  	v11 =	vld [tilespmem:s26+$0x30]  }
0x24a: {  	s24 =	sadd.s32 $0x200, s24;
	v12 =	vld [tilespmem:s26+$0x40]  }
0x24b: {  	v13 =	vld [tilespmem:s26+$0x50];
	[tilespmem:s24+$0x70] =	vst v6  }
0x24c: {  	v6 =	vld [tilespmem:s26+$0x60]  }
0x24d: {  	v14 =	vld [tilespmem:s26+$0xFFFFFF80]  }
0x24e: {  	v0 =	vld.idx.msk [tilespmem:v0+s3+$0x0], $0xffff  }
0x24f: {  	v1 =	vld.idx.msk [tilespmem:v1+s3+$0x0], $0xffff  }
0x250: {  	v2 =	vld.idx.msk [tilespmem:v2+s3+$0x0], $0xffff  }
0x251: {  	v3 =	vld.idx.msk [tilespmem:v3+s3+$0x0], $0xffff  }
0x252: {  	v4 =	vld.idx.msk [tilespmem:v4+s3+$0x0], $0xffff  }
0x253: {  	v5 =	vld.idx.msk [tilespmem:v5+s3+$0x0], $0xffff  }
0x254: {  	[tilespmem:s24+$0xFFFFFF10] =	vst v0;
	v7 =	vld.idx.msk [tilespmem:v7+s3+$0x0], $0xffff  }
0x255: {  	v14 =	vld.idx.msk [tilespmem:v14+s3+$0x0], $0xffff;
	[tilespmem:s24+$0xFFFFFF20] =	vst v1  }
0x256: {  	[tilespmem:s24+$0xFFFFFF30] =	vst v2;
	v8 =	vld.idx.msk [tilespmem:v8+s3+$0x0], $0xffff  }
0x257: {  	[tilespmem:s24+$0xFFFFFF40] =	vst v3;
	v0 =	vld.idx.msk [tilespmem:v9+s3+$0x0], $0xffff  }
.Ltmp16:
0x258: {  	[tilespmem:s24+$0xFFFFFF50] =	vst v4;
	v1 =	vld.idx.msk [tilespmem:v10+s3+$0x0], $0xffff;
	(pc) =	sbr.rel @p0 .LBB2_34-.Ltmp16, $4  }
0x259: {  	[tilespmem:s24+$0xFFFFFF60] =	vst v5;
	v2 =	vld.idx.msk [tilespmem:v11+s3+$0x0], $0xffff  }
0x25a: {  	[tilespmem:s24+$0xFFFFFF70] =	vst v7;
	v3 =	vld.idx.msk [tilespmem:v12+s3+$0x0], $0xffff  }
0x25b: {  	[tilespmem:s24+$0xFFFFFF00] =	vst v14;
	v4 =	vld.idx.msk [tilespmem:v13+s3+$0x0], $0xffff  }
0x25c: {  	s26 =	sadd.s32 $0x100, s26;
	[tilespmem:s24+$0x0] =	vst v8;
	v5 =	vld.idx.msk [tilespmem:v6+s3+$0x0], $0xffff  }
0x25d: {  	[tilespmem:s24+$0x10] =	vst v0  }
0x25e: {  	[tilespmem:s24+$0x20] =	vst v1  }
0x25f: {  	[tilespmem:s24+$0x30] =	vst v2  }
0x260: {  	[tilespmem:s24+$0x40] =	vst v3  }
0x261: {  	s25 =	simm.s32 $0x1C700;
	[tilespmem:s24+$0x50] =	vst v4  }
0x262: {  	s28 =	sadd.s32 $0x0, s13;
	s26 =	simm.s32 $0x1C800;
	[tilespmem:s24+$0x60] =	vst v5;
	s24 =	simm.s32 $0x80  }
.LBB2_36:
0x263: {  	[hbm4b:s28+s3] =	stream.linear.scatter [tilespmem:s25], [sflag:$0x2], $0x80, $0x38;
	[tilespmem:$0x1E700] =	vst v63  }
0x264: {  	s28 =	smov.u32 s24;
	s25 =	smov.u32 s26;
	p0 =	sne.s32 s24, $0xF80  }
.Ltmp17:
0x265: {  	s24 =	sadd.s32 $0x80, s24;
	(pc) =	sbr.rel @p0 .LBB2_36-.Ltmp17, $2  }
0x266: {  	_ =	sdelay $0x2  }
0x267: {  	s26 =	sadd.s32 $0x100, s26;
	s28 =	sadd.s32 s28, s13  }
0x268: {  	[hbm4b:s28+s3] =	stream.linear.scatter [tilespmem:s25], [sflag:$0x2], $0x80, $0x38;
	[tilespmem:$0x1E700] =	vst v63  }
0x269: {  	_ =	swait.ge [sflag:s21], $0x1000  }
0x26a: {  	[sflag:s21] =	ssyncset.done $0x0  }
0x26b: {  	s24 =	simm.s32 $0x197F0;
	[sflag:s21] =	ssyncadd.s32 $0xFFFFF000  }
0x26c: {  	v0 =	vld [tilespmem:s24+$0x0]  }
0x26d: {  	v1 =	vld [tilespmem:s24+$0xFFFFFF20]  }
0x26e: {  	v2 =	vld [tilespmem:s24+$0xFFFFFF30]  }
0x26f: {  	v3 =	vld [tilespmem:s24+$0xFFFFFF40]  }
0x270: {  	v4 =	vld [tilespmem:s24+$0xFFFFFF50]  }
0x271: {  	v5 =	vld [tilespmem:s24+$0xFFFFFF60]  }
0x272: {  	v6 =	vld [tilespmem:s24+$0xFFFFFF70]  }
0x273: {  	v7 =	vld [tilespmem:s24+$0xFFFFFF80]  }
0x274: {  	v8 =	vld [tilespmem:s24+$0xFFFFFF90]  }
0x275: {  	v9 =	vld [tilespmem:s24+$0xFFFFFFA0]  }
0x276: {  	v10 =	vld [tilespmem:s24+$0xFFFFFFB0]  }
0x277: {  	v11 =	vld [tilespmem:s24+$0xFFFFFFC0]  }
0x278: {  	v12 =	vld [tilespmem:s24+$0xFFFFFFD0]  }
0x279: {  	v13 =	vld [tilespmem:s24+$0xFFFFFFE0]  }
0x27a: {  	v14 =	vld [tilespmem:s24+$0xFFFFFFF0]  }
0x27b: {  	v15 =	vld [tilespmem:s24+$0xFFFFFF10]  }
0x27c: {  	v0 =	vld.idx.msk [tilespmem:v0+s3+$0x0], $0xffff  }
0x27d: {  	v1 =	vld.idx.msk [tilespmem:v1+s3+$0x0], $0xffff  }
0x27e: {  	v2 =	vld.idx.msk [tilespmem:v2+s3+$0x0], $0xffff  }
0x27f: {  	v3 =	vld.idx.msk [tilespmem:v3+s3+$0x0], $0xffff  }
0x280: {  	v4 =	vld.idx.msk [tilespmem:v4+s3+$0x0], $0xffff  }
0x281: {  	s24 =	simm.s32 $0x1C880;
	v5 =	vld.idx.msk [tilespmem:v5+s3+$0x0], $0xffff  }
0x282: {  	v6 =	vld.idx.msk [tilespmem:v6+s3+$0x0], $0xffff;
	[tilespmem:s24+$0x70] =	vst v0  }
0x283: {  	v7 =	vld.idx.msk [tilespmem:v7+s3+$0x0], $0xffff;
	[tilespmem:s24+$0xFFFFFF10] =	vst v1  }
0x284: {  	v15 =	vld.idx.msk [tilespmem:v15+s3+$0x0], $0xffff;
	[tilespmem:s24+$0xFFFFFF20] =	vst v2  }
0x285: {  	v8 =	vld.idx.msk [tilespmem:v8+s3+$0x0], $0xffff;
	[tilespmem:s24+$0xFFFFFF30] =	vst v3  }
0x286: {  	[tilespmem:s24+$0xFFFFFF40] =	vst v4;
	v0 =	vld.idx.msk [tilespmem:v9+s3+$0x0], $0xffff  }
0x287: {  	[tilespmem:s24+$0xFFFFFF50] =	vst v5;
	v1 =	vld.idx.msk [tilespmem:v10+s3+$0x0], $0xffff  }
0x288: {  	[tilespmem:s24+$0xFFFFFF60] =	vst v6;
	v2 =	vld.idx.msk [tilespmem:v11+s3+$0x0], $0xffff  }
0x289: {  	[tilespmem:s24+$0xFFFFFF70] =	vst v7;
	v3 =	vld.idx.msk [tilespmem:v12+s3+$0x0], $0xffff  }
0x28a: {  	[tilespmem:s24+$0xFFFFFF00] =	vst v15;
	v4 =	vld.idx.msk [tilespmem:v13+s3+$0x0], $0xffff  }
0x28b: {  	s25 =	simm.s32 $0x0;
	s26 =	simm.s32 $0x198F0;
	[tilespmem:s24+$0x0] =	vst v8;
	v5 =	vld.idx.msk [tilespmem:v14+s3+$0x0], $0xffff  }
.LBB2_38:
0x28c: {  	v6 =	vld [tilespmem:s26+$0x0];
	s25 =	sadd.s32 $0x10, s25;
	[tilespmem:s24+$0x10] =	vst v0  }
0x28d: {  	v0 =	vld [tilespmem:s26+$0xFFFFFF20];
	p0 =	slt.u32 s25, $0xF0;
	[tilespmem:s24+$0x20] =	vst v1  }
0x28e: {  	v1 =	vld [tilespmem:s26+$0xFFFFFF30];
	[tilespmem:s24+$0x30] =	vst v2  }
0x28f: {  	v2 =	vld [tilespmem:s26+$0xFFFFFF40];
	[tilespmem:s24+$0x40] =	vst v3  }
0x290: {  	v3 =	vld [tilespmem:s26+$0xFFFFFF50];
	[tilespmem:s24+$0x50] =	vst v4  }
0x291: {  	v4 =	vld [tilespmem:s26+$0xFFFFFF60];
	[tilespmem:s24+$0x60] =	vst v5  }
0x292: {  	v5 =	vld [tilespmem:s26+$0xFFFFFF70]  }
0x293: {  	v7 =	vld [tilespmem:s26+$0xFFFFFF80]  }
0x294: {  	v6 =	vld.idx.msk [tilespmem:v6+s3+$0x0], $0xffff  }
0x295: {  	v8 =	vld [tilespmem:s26+$0xFFFFFF90]  }
0x296: {  	v9 =	vld [tilespmem:s26+$0xFFFFFFA0]  }
0x297: {  	v10 =	vld [tilespmem:s26+$0xFFFFFFB0]  }
0x298: {  	v11 =	vld [tilespmem:s26+$0xFFFFFFC0]  }
0x299: {  	s24 =	sadd.s32 $0x200, s24;
	v12 =	vld [tilespmem:s26+$0xFFFFFFD0]  }
0x29a: {  	v13 =	vld [tilespmem:s26+$0xFFFFFFE0];
	[tilespmem:s24+$0x70] =	vst v6  }
0x29b: {  	v6 =	vld [tilespmem:s26+$0xFFFFFFF0]  }
0x29c: {  	v14 =	vld [tilespmem:s26+$0xFFFFFF10]  }
0x29d: {  	v0 =	vld.idx.msk [tilespmem:v0+s3+$0x0], $0xffff  }
0x29e: {  	v1 =	vld.idx.msk [tilespmem:v1+s3+$0x0], $0xffff  }
0x29f: {  	v2 =	vld.idx.msk [tilespmem:v2+s3+$0x0], $0xffff  }
0x2a0: {  	v3 =	vld.idx.msk [tilespmem:v3+s3+$0x0], $0xffff  }
0x2a1: {  	v4 =	vld.idx.msk [tilespmem:v4+s3+$0x0], $0xffff  }
0x2a2: {  	v5 =	vld.idx.msk [tilespmem:v5+s3+$0x0], $0xffff  }
0x2a3: {  	[tilespmem:s24+$0xFFFFFF10] =	vst v0;
	v7 =	vld.idx.msk [tilespmem:v7+s3+$0x0], $0xffff  }
0x2a4: {  	v14 =	vld.idx.msk [tilespmem:v14+s3+$0x0], $0xffff;
	[tilespmem:s24+$0xFFFFFF20] =	vst v1  }
0x2a5: {  	[tilespmem:s24+$0xFFFFFF30] =	vst v2;
	v8 =	vld.idx.msk [tilespmem:v8+s3+$0x0], $0xffff  }
0x2a6: {  	[tilespmem:s24+$0xFFFFFF40] =	vst v3;
	v0 =	vld.idx.msk [tilespmem:v9+s3+$0x0], $0xffff  }
.Ltmp18:
0x2a7: {  	[tilespmem:s24+$0xFFFFFF50] =	vst v4;
	v1 =	vld.idx.msk [tilespmem:v10+s3+$0x0], $0xffff;
	(pc) =	sbr.rel @p0 .LBB2_38-.Ltmp18, $4  }
0x2a8: {  	[tilespmem:s24+$0xFFFFFF60] =	vst v5;
	v2 =	vld.idx.msk [tilespmem:v11+s3+$0x0], $0xffff  }
0x2a9: {  	[tilespmem:s24+$0xFFFFFF70] =	vst v7;
	v3 =	vld.idx.msk [tilespmem:v12+s3+$0x0], $0xffff  }
0x2aa: {  	[tilespmem:s24+$0xFFFFFF00] =	vst v14;
	v4 =	vld.idx.msk [tilespmem:v13+s3+$0x0], $0xffff  }
0x2ab: {  	s26 =	sadd.s32 $0x100, s26;
	[tilespmem:s24+$0x0] =	vst v8;
	v5 =	vld.idx.msk [tilespmem:v6+s3+$0x0], $0xffff  }
0x2ac: {  	[tilespmem:s24+$0x10] =	vst v0  }
0x2ad: {  	[tilespmem:s24+$0x20] =	vst v1  }
0x2ae: {  	[tilespmem:s24+$0x30] =	vst v2  }
0x2af: {  	[tilespmem:s24+$0x40] =	vst v3  }
0x2b0: {  	s25 =	simm.s32 $0x1C780;
	[tilespmem:s24+$0x50] =	vst v4  }
0x2b1: {  	s28 =	sadd.s32 $0x0, s14;
	s26 =	simm.s32 $0x1C880;
	[tilespmem:s24+$0x60] =	vst v5;
	s24 =	simm.s32 $0x80  }
.LBB2_40:
0x2b2: {  	[hbm4b:s28+s3] =	stream.linear.scatter [tilespmem:s25], [sflag:$0x3], $0x80, $0x38;
	[tilespmem:$0x1E700] =	vst v63  }
0x2b3: {  	s28 =	smov.u32 s24;
	s25 =	smov.u32 s26;
	p0 =	sne.s32 s24, $0xF80  }
.Ltmp19:
0x2b4: {  	s24 =	sadd.s32 $0x80, s24;
	(pc) =	sbr.rel @p0 .LBB2_40-.Ltmp19, $2  }
0x2b5: {  	_ =	sdelay $0x2  }
0x2b6: {  	s26 =	sadd.s32 $0x100, s26;
	s28 =	sadd.s32 s28, s14  }
0x2b7: {  	[hbm4b:s28+s3] =	stream.linear.scatter [tilespmem:s25], [sflag:$0x3], $0x80, $0x38;
	[tilespmem:$0x1E700] =	vst v63  }
0x2b8: {  	_ =	swait.ge [sflag:s20], $0x1000  }
0x2b9: {  	[sflag:s20] =	ssyncset.done $0x0  }
0x2ba: {  	s24 =	simm.s32 $0x1A7F0;
	[sflag:s20] =	ssyncadd.s32 $0xFFFFF000  }
0x2bb: {  	v0 =	vld [tilespmem:s24+$0x0]  }
0x2bc: {  	v1 =	vld [tilespmem:s24+$0xFFFFFF20]  }
0x2bd: {  	v2 =	vld [tilespmem:s24+$0xFFFFFF30]  }
0x2be: {  	v3 =	vld [tilespmem:s24+$0xFFFFFF40]  }
0x2bf: {  	v4 =	vld [tilespmem:s24+$0xFFFFFF50]  }
0x2c0: {  	v5 =	vld [tilespmem:s24+$0xFFFFFF60]  }
0x2c1: {  	v6 =	vld [tilespmem:s24+$0xFFFFFF70]  }
0x2c2: {  	v7 =	vld [tilespmem:s24+$0xFFFFFF80]  }
0x2c3: {  	v8 =	vld [tilespmem:s24+$0xFFFFFF90]  }
0x2c4: {  	v9 =	vld [tilespmem:s24+$0xFFFFFFA0]  }
0x2c5: {  	v10 =	vld [tilespmem:s24+$0xFFFFFFB0]  }
0x2c6: {  	v11 =	vld [tilespmem:s24+$0xFFFFFFC0]  }
0x2c7: {  	v12 =	vld [tilespmem:s24+$0xFFFFFFD0]  }
0x2c8: {  	v13 =	vld [tilespmem:s24+$0xFFFFFFE0]  }
0x2c9: {  	v14 =	vld [tilespmem:s24+$0xFFFFFFF0]  }
0x2ca: {  	v15 =	vld [tilespmem:s24+$0xFFFFFF10]  }
0x2cb: {  	v0 =	vld.idx.msk [tilespmem:v0+s3+$0x0], $0xffff  }
0x2cc: {  	v1 =	vld.idx.msk [tilespmem:v1+s3+$0x0], $0xffff  }
0x2cd: {  	v2 =	vld.idx.msk [tilespmem:v2+s3+$0x0], $0xffff  }
0x2ce: {  	v3 =	vld.idx.msk [tilespmem:v3+s3+$0x0], $0xffff  }
0x2cf: {  	v4 =	vld.idx.msk [tilespmem:v4+s3+$0x0], $0xffff  }
0x2d0: {  	s24 =	simm.s32 $0x1C800;
	v5 =	vld.idx.msk [tilespmem:v5+s3+$0x0], $0xffff  }
0x2d1: {  	v6 =	vld.idx.msk [tilespmem:v6+s3+$0x0], $0xffff;
	[tilespmem:s24+$0x70] =	vst v0  }
0x2d2: {  	v7 =	vld.idx.msk [tilespmem:v7+s3+$0x0], $0xffff;
	[tilespmem:s24+$0xFFFFFF10] =	vst v1  }
0x2d3: {  	v15 =	vld.idx.msk [tilespmem:v15+s3+$0x0], $0xffff;
	[tilespmem:s24+$0xFFFFFF20] =	vst v2  }
0x2d4: {  	v8 =	vld.idx.msk [tilespmem:v8+s3+$0x0], $0xffff;
	[tilespmem:s24+$0xFFFFFF30] =	vst v3  }
0x2d5: {  	[tilespmem:s24+$0xFFFFFF40] =	vst v4;
	v0 =	vld.idx.msk [tilespmem:v9+s3+$0x0], $0xffff  }
0x2d6: {  	[tilespmem:s24+$0xFFFFFF50] =	vst v5;
	v1 =	vld.idx.msk [tilespmem:v10+s3+$0x0], $0xffff  }
0x2d7: {  	[tilespmem:s24+$0xFFFFFF60] =	vst v6;
	v2 =	vld.idx.msk [tilespmem:v11+s3+$0x0], $0xffff  }
0x2d8: {  	[tilespmem:s24+$0xFFFFFF70] =	vst v7;
	v3 =	vld.idx.msk [tilespmem:v12+s3+$0x0], $0xffff  }
0x2d9: {  	[tilespmem:s24+$0xFFFFFF00] =	vst v15;
	v4 =	vld.idx.msk [tilespmem:v13+s3+$0x0], $0xffff  }
0x2da: {  	s25 =	simm.s32 $0x0;
	s26 =	simm.s32 $0x1A8F0;
	[tilespmem:s24+$0x0] =	vst v8;
	v5 =	vld.idx.msk [tilespmem:v14+s3+$0x0], $0xffff  }
.LBB2_42:
0x2db: {  	v6 =	vld [tilespmem:s26+$0x0];
	s25 =	sadd.s32 $0x10, s25;
	[tilespmem:s24+$0x10] =	vst v0  }
0x2dc: {  	v0 =	vld [tilespmem:s26+$0xFFFFFF20];
	p0 =	slt.u32 s25, $0xF0;
	[tilespmem:s24+$0x20] =	vst v1  }
0x2dd: {  	v1 =	vld [tilespmem:s26+$0xFFFFFF30];
	[tilespmem:s24+$0x30] =	vst v2  }
0x2de: {  	v2 =	vld [tilespmem:s26+$0xFFFFFF40];
	[tilespmem:s24+$0x40] =	vst v3  }
0x2df: {  	v3 =	vld [tilespmem:s26+$0xFFFFFF50];
	[tilespmem:s24+$0x50] =	vst v4  }
0x2e0: {  	v4 =	vld [tilespmem:s26+$0xFFFFFF60];
	[tilespmem:s24+$0x60] =	vst v5  }
0x2e1: {  	v5 =	vld [tilespmem:s26+$0xFFFFFF70]  }
0x2e2: {  	v7 =	vld [tilespmem:s26+$0xFFFFFF80]  }
0x2e3: {  	v6 =	vld.idx.msk [tilespmem:v6+s3+$0x0], $0xffff  }
0x2e4: {  	v8 =	vld [tilespmem:s26+$0xFFFFFF90]  }
0x2e5: {  	v9 =	vld [tilespmem:s26+$0xFFFFFFA0]  }
0x2e6: {  	v10 =	vld [tilespmem:s26+$0xFFFFFFB0]  }
0x2e7: {  	v11 =	vld [tilespmem:s26+$0xFFFFFFC0]  }
0x2e8: {  	s24 =	sadd.s32 $0x200, s24;
	v12 =	vld [tilespmem:s26+$0xFFFFFFD0]  }
0x2e9: {  	v13 =	vld [tilespmem:s26+$0xFFFFFFE0];
	[tilespmem:s24+$0x70] =	vst v6  }
0x2ea: {  	v6 =	vld [tilespmem:s26+$0xFFFFFFF0]  }
0x2eb: {  	v14 =	vld [tilespmem:s26+$0xFFFFFF10]  }
0x2ec: {  	v0 =	vld.idx.msk [tilespmem:v0+s3+$0x0], $0xffff  }
0x2ed: {  	v1 =	vld.idx.msk [tilespmem:v1+s3+$0x0], $0xffff  }
0x2ee: {  	v2 =	vld.idx.msk [tilespmem:v2+s3+$0x0], $0xffff  }
0x2ef: {  	v3 =	vld.idx.msk [tilespmem:v3+s3+$0x0], $0xffff  }
0x2f0: {  	v4 =	vld.idx.msk [tilespmem:v4+s3+$0x0], $0xffff  }
0x2f1: {  	v5 =	vld.idx.msk [tilespmem:v5+s3+$0x0], $0xffff  }
0x2f2: {  	[tilespmem:s24+$0xFFFFFF10] =	vst v0;
	v7 =	vld.idx.msk [tilespmem:v7+s3+$0x0], $0xffff  }
0x2f3: {  	v14 =	vld.idx.msk [tilespmem:v14+s3+$0x0], $0xffff;
	[tilespmem:s24+$0xFFFFFF20] =	vst v1  }
0x2f4: {  	[tilespmem:s24+$0xFFFFFF30] =	vst v2;
	v8 =	vld.idx.msk [tilespmem:v8+s3+$0x0], $0xffff  }
0x2f5: {  	[tilespmem:s24+$0xFFFFFF40] =	vst v3;
	v0 =	vld.idx.msk [tilespmem:v9+s3+$0x0], $0xffff  }
.Ltmp20:
0x2f6: {  	[tilespmem:s24+$0xFFFFFF50] =	vst v4;
	v1 =	vld.idx.msk [tilespmem:v10+s3+$0x0], $0xffff;
	(pc) =	sbr.rel @p0 .LBB2_42-.Ltmp20, $4  }
0x2f7: {  	[tilespmem:s24+$0xFFFFFF60] =	vst v5;
	v2 =	vld.idx.msk [tilespmem:v11+s3+$0x0], $0xffff  }
0x2f8: {  	[tilespmem:s24+$0xFFFFFF70] =	vst v7;
	v3 =	vld.idx.msk [tilespmem:v12+s3+$0x0], $0xffff  }
0x2f9: {  	[tilespmem:s24+$0xFFFFFF00] =	vst v14;
	v4 =	vld.idx.msk [tilespmem:v13+s3+$0x0], $0xffff  }
0x2fa: {  	s26 =	sadd.s32 $0x100, s26;
	[tilespmem:s24+$0x0] =	vst v8;
	v5 =	vld.idx.msk [tilespmem:v6+s3+$0x0], $0xffff  }
0x2fb: {  	[tilespmem:s24+$0x10] =	vst v0  }
0x2fc: {  	[tilespmem:s24+$0x20] =	vst v1  }
0x2fd: {  	[tilespmem:s24+$0x30] =	vst v2  }
0x2fe: {  	[tilespmem:s24+$0x40] =	vst v3  }
0x2ff: {  	s25 =	simm.s32 $0x1C700;
	[tilespmem:s24+$0x50] =	vst v4  }
0x300: {  	s28 =	sadd.s32 $0x0, s15;
	s26 =	simm.s32 $0x1C800;
	[tilespmem:s24+$0x60] =	vst v5;
	s24 =	simm.s32 $0x80  }
.LBB2_44:
0x301: {  	[hbm4b:s28+s3] =	stream.linear.scatter [tilespmem:s25], [sflag:$0x2], $0x80, $0x38;
	[tilespmem:$0x1E700] =	vst v63  }
0x302: {  	s28 =	smov.u32 s24;
	s25 =	smov.u32 s26;
	p0 =	sne.s32 s24, $0xF80  }
.Ltmp21:
0x303: {  	s24 =	sadd.s32 $0x80, s24;
	(pc) =	sbr.rel @p0 .LBB2_44-.Ltmp21, $2  }
0x304: {  	_ =	sdelay $0x2  }
0x305: {  	s26 =	sadd.s32 $0x100, s26;
	s28 =	sadd.s32 s28, s15  }
0x306: {  	[hbm4b:s28+s3] =	stream.linear.scatter [tilespmem:s25], [sflag:$0x2], $0x80, $0x38;
	[tilespmem:$0x1E700] =	vst v63  }
0x307: {  	_ =	swait.ge [sflag:s21], $0x1000  }
0x308: {  	[sflag:s21] =	ssyncset.done $0x0  }
0x309: {  	s24 =	simm.s32 $0x1B7F0;
	[sflag:s21] =	ssyncadd.s32 $0xFFFFF000  }
0x30a: {  	v0 =	vld [tilespmem:s24+$0x0]  }
0x30b: {  	v1 =	vld [tilespmem:s24+$0xFFFFFF20]  }
0x30c: {  	v2 =	vld [tilespmem:s24+$0xFFFFFF30]  }
0x30d: {  	v3 =	vld [tilespmem:s24+$0xFFFFFF40]  }
0x30e: {  	v4 =	vld [tilespmem:s24+$0xFFFFFF50]  }
0x30f: {  	v5 =	vld [tilespmem:s24+$0xFFFFFF60]  }
0x310: {  	v6 =	vld [tilespmem:s24+$0xFFFFFF70]  }
0x311: {  	v7 =	vld [tilespmem:s24+$0xFFFFFF80]  }
0x312: {  	v8 =	vld [tilespmem:s24+$0xFFFFFF90]  }
0x313: {  	v9 =	vld [tilespmem:s24+$0xFFFFFFA0]  }
0x314: {  	v10 =	vld [tilespmem:s24+$0xFFFFFFB0]  }
0x315: {  	v11 =	vld [tilespmem:s24+$0xFFFFFFC0]  }
0x316: {  	v12 =	vld [tilespmem:s24+$0xFFFFFFD0]  }
0x317: {  	v13 =	vld [tilespmem:s24+$0xFFFFFFE0]  }
0x318: {  	v14 =	vld [tilespmem:s24+$0xFFFFFFF0]  }
0x319: {  	v15 =	vld [tilespmem:s24+$0xFFFFFF10]  }
0x31a: {  	v0 =	vld.idx.msk [tilespmem:v0+s3+$0x0], $0xffff  }
0x31b: {  	v1 =	vld.idx.msk [tilespmem:v1+s3+$0x0], $0xffff  }
0x31c: {  	v2 =	vld.idx.msk [tilespmem:v2+s3+$0x0], $0xffff  }
0x31d: {  	v3 =	vld.idx.msk [tilespmem:v3+s3+$0x0], $0xffff  }
0x31e: {  	v4 =	vld.idx.msk [tilespmem:v4+s3+$0x0], $0xffff  }
0x31f: {  	s24 =	simm.s32 $0x1C880;
	v5 =	vld.idx.msk [tilespmem:v5+s3+$0x0], $0xffff  }
0x320: {  	v6 =	vld.idx.msk [tilespmem:v6+s3+$0x0], $0xffff;
	[tilespmem:s24+$0x70] =	vst v0  }
0x321: {  	v7 =	vld.idx.msk [tilespmem:v7+s3+$0x0], $0xffff;
	[tilespmem:s24+$0xFFFFFF10] =	vst v1  }
0x322: {  	v15 =	vld.idx.msk [tilespmem:v15+s3+$0x0], $0xffff;
	[tilespmem:s24+$0xFFFFFF20] =	vst v2  }
0x323: {  	v8 =	vld.idx.msk [tilespmem:v8+s3+$0x0], $0xffff;
	[tilespmem:s24+$0xFFFFFF30] =	vst v3  }
0x324: {  	[tilespmem:s24+$0xFFFFFF40] =	vst v4;
	v0 =	vld.idx.msk [tilespmem:v9+s3+$0x0], $0xffff  }
0x325: {  	[tilespmem:s24+$0xFFFFFF50] =	vst v5;
	v1 =	vld.idx.msk [tilespmem:v10+s3+$0x0], $0xffff  }
0x326: {  	[tilespmem:s24+$0xFFFFFF60] =	vst v6;
	v2 =	vld.idx.msk [tilespmem:v11+s3+$0x0], $0xffff  }
0x327: {  	[tilespmem:s24+$0xFFFFFF70] =	vst v7;
	v3 =	vld.idx.msk [tilespmem:v12+s3+$0x0], $0xffff  }
0x328: {  	[tilespmem:s24+$0xFFFFFF00] =	vst v15;
	v4 =	vld.idx.msk [tilespmem:v13+s3+$0x0], $0xffff  }
0x329: {  	s25 =	simm.s32 $0x0;
	s26 =	simm.s32 $0x1B8F0;
	[tilespmem:s24+$0x0] =	vst v8;
	v5 =	vld.idx.msk [tilespmem:v14+s3+$0x0], $0xffff  }
.LBB2_46:
0x32a: {  	v6 =	vld [tilespmem:s26+$0x0];
	s25 =	sadd.s32 $0x10, s25;
	[tilespmem:s24+$0x10] =	vst v0  }
0x32b: {  	v0 =	vld [tilespmem:s26+$0xFFFFFF20];
	p0 =	slt.u32 s25, $0xF0;
	[tilespmem:s24+$0x20] =	vst v1  }
0x32c: {  	v1 =	vld [tilespmem:s26+$0xFFFFFF30];
	[tilespmem:s24+$0x30] =	vst v2  }
0x32d: {  	v2 =	vld [tilespmem:s26+$0xFFFFFF40];
	[tilespmem:s24+$0x40] =	vst v3  }
0x32e: {  	v3 =	vld [tilespmem:s26+$0xFFFFFF50];
	[tilespmem:s24+$0x50] =	vst v4  }
0x32f: {  	v4 =	vld [tilespmem:s26+$0xFFFFFF60];
	[tilespmem:s24+$0x60] =	vst v5  }
0x330: {  	v5 =	vld [tilespmem:s26+$0xFFFFFF70]  }
0x331: {  	v7 =	vld [tilespmem:s26+$0xFFFFFF80]  }
0x332: {  	v6 =	vld.idx.msk [tilespmem:v6+s3+$0x0], $0xffff  }
0x333: {  	v8 =	vld [tilespmem:s26+$0xFFFFFF90]  }
0x334: {  	v9 =	vld [tilespmem:s26+$0xFFFFFFA0]  }
0x335: {  	v10 =	vld [tilespmem:s26+$0xFFFFFFB0]  }
0x336: {  	v11 =	vld [tilespmem:s26+$0xFFFFFFC0]  }
0x337: {  	s24 =	sadd.s32 $0x200, s24;
	v12 =	vld [tilespmem:s26+$0xFFFFFFD0]  }
0x338: {  	v13 =	vld [tilespmem:s26+$0xFFFFFFE0];
	[tilespmem:s24+$0x70] =	vst v6  }
0x339: {  	v6 =	vld [tilespmem:s26+$0xFFFFFFF0]  }
0x33a: {  	v14 =	vld [tilespmem:s26+$0xFFFFFF10]  }
0x33b: {  	v0 =	vld.idx.msk [tilespmem:v0+s3+$0x0], $0xffff  }
0x33c: {  	v1 =	vld.idx.msk [tilespmem:v1+s3+$0x0], $0xffff  }
0x33d: {  	v2 =	vld.idx.msk [tilespmem:v2+s3+$0x0], $0xffff  }
0x33e: {  	v3 =	vld.idx.msk [tilespmem:v3+s3+$0x0], $0xffff  }
0x33f: {  	v4 =	vld.idx.msk [tilespmem:v4+s3+$0x0], $0xffff  }
0x340: {  	v5 =	vld.idx.msk [tilespmem:v5+s3+$0x0], $0xffff  }
0x341: {  	[tilespmem:s24+$0xFFFFFF10] =	vst v0;
	v7 =	vld.idx.msk [tilespmem:v7+s3+$0x0], $0xffff  }
0x342: {  	v14 =	vld.idx.msk [tilespmem:v14+s3+$0x0], $0xffff;
	[tilespmem:s24+$0xFFFFFF20] =	vst v1  }
0x343: {  	[tilespmem:s24+$0xFFFFFF30] =	vst v2;
	v8 =	vld.idx.msk [tilespmem:v8+s3+$0x0], $0xffff  }
0x344: {  	[tilespmem:s24+$0xFFFFFF40] =	vst v3;
	v0 =	vld.idx.msk [tilespmem:v9+s3+$0x0], $0xffff  }
.Ltmp22:
0x345: {  	[tilespmem:s24+$0xFFFFFF50] =	vst v4;
	v1 =	vld.idx.msk [tilespmem:v10+s3+$0x0], $0xffff;
	(pc) =	sbr.rel @p0 .LBB2_46-.Ltmp22, $4  }
0x346: {  	[tilespmem:s24+$0xFFFFFF60] =	vst v5;
	v2 =	vld.idx.msk [tilespmem:v11+s3+$0x0], $0xffff  }
0x347: {  	[tilespmem:s24+$0xFFFFFF70] =	vst v7;
	v3 =	vld.idx.msk [tilespmem:v12+s3+$0x0], $0xffff  }
0x348: {  	[tilespmem:s24+$0xFFFFFF00] =	vst v14;
	v4 =	vld.idx.msk [tilespmem:v13+s3+$0x0], $0xffff  }
0x349: {  	s26 =	sadd.s32 $0x100, s26;
	[tilespmem:s24+$0x0] =	vst v8;
	v5 =	vld.idx.msk [tilespmem:v6+s3+$0x0], $0xffff  }
0x34a: {  	[tilespmem:s24+$0x10] =	vst v0  }
0x34b: {  	[tilespmem:s24+$0x20] =	vst v1  }
0x34c: {  	[tilespmem:s24+$0x30] =	vst v2  }
0x34d: {  	[tilespmem:s24+$0x40] =	vst v3  }
0x34e: {  	s25 =	simm.s32 $0x1C780;
	[tilespmem:s24+$0x50] =	vst v4  }
0x34f: {  	s28 =	sadd.s32 $0x0, s16;
	s26 =	simm.s32 $0x1C880;
	[tilespmem:s24+$0x60] =	vst v5;
	s24 =	simm.s32 $0x80  }
.LBB2_48:
0x350: {  	[hbm4b:s28+s3] =	stream.linear.scatter [tilespmem:s25], [sflag:$0x3], $0x80, $0x38;
	[tilespmem:$0x1E700] =	vst v63  }
0x351: {  	s28 =	smov.u32 s24;
	s25 =	smov.u32 s26;
	p0 =	sne.s32 s24, $0xF80  }
.Ltmp23:
0x352: {  	s24 =	sadd.s32 $0x80, s24;
	(pc) =	sbr.rel @p0 .LBB2_48-.Ltmp23, $2  }
0x353: {  	_ =	sdelay $0x2  }
0x354: {  	s26 =	sadd.s32 $0x100, s26;
	s28 =	sadd.s32 s28, s16  }
0x355: {  	[hbm4b:s28+s3] =	stream.linear.scatter [tilespmem:s25], [sflag:$0x3], $0x80, $0x38;
	[tilespmem:$0x1E700] =	vst v63  }
0x356: {  	s23 =	sadd.s32 $0x1, s23  }
0x357: {  	_ =	swait.ge [sflag:s20], $0x1000;
	p0 =	sne.s32 s23, s17  }
.Ltmp24:
0x358: {  	[sflag:s20] =	ssyncset.done $0x0;
	(pc) =	sbr.rel @p0 .LBB2_1-.Ltmp24, $4  }
0x359: {  	[sflag:s20] =	ssyncadd.s32 $0xFFFFF000  }
0x35a: {  	_ =	swait.ge [sflag:s21], $0x1000  }
0x35b: {  	[sflag:s21] =	ssyncset.done $0x0  }
0x35c: {  	[sflag:s21] =	ssyncadd.s32 $0xFFFFF000  }
0x35d: {  	_ =	sfence.sel $0x180000  }
0x35e: {  	[bflag:$0x0] =	sbarrier.arrive $0xFFFF  }
0x35f: {  	p0 =	sne.s32 s2, $0x0;
	_ =	strace $0x90000047  }
0x360: {  	s0 =	sadd.s32 @!p0 $0x100000, s0;
	[bflag:$0x2] =	sbarrier.arrive $0xFFFF  }
0x361: {  	[sflag:s0] =	ssyncadd.tile.s32 @!p0 $0x1;
	_ =	shalt  }
.Lfunc_end2:
_tile_overlayer_lowered:
.L_overlay_start_2:
0x362: {  	(tag) =	ssettag $0x2  }
0x363: {  	s0 =	rddreg [dreg:$0x0];
	s2 =	stileid.u32  }
0x364: {  	s1 =	rddreg [dreg:$0x1];
	p0 =	sne.s32 s2, $0x0  }
0x365: {  	s3 =	rddreg [dreg:$0x2];
	[bflag:$0x3] =	sbarrier.arrive $0xFFFF;
	s2 =	simm.s32 @!p0 $0x1C04  }
0x366: {  	[timem:s3], [sflag:s2] =	dma.local @!p0 [hbm:s0], s1  }
0x367: {  	s0 =	simm.s32 @!p0 $0x4  }
0x368: {  	_ =	swait.ge @!p0 [sflag:s0], s1  }
0x369: {  	s1 =	ssub.s32 @!p0 $0x0, s1;
	[sflag:s0] =	ssyncset.done @!p0 $0x0  }
0x36a: {  	[sflag:s0] =	ssyncadd.s32 @!p0 s1  }
0x36b: {  	[bflag:$0x3] =	sbarrier.arrive $0xFFFF  }
0x36c: {  	_ =	shalt  }

</sc_bundles>
